<compile_context>
chip_gen: v7x
topology: tpu7x:2x2x1
jax: 0.10.2.dev20260603
libtpu: 0.0.44.dev20260713+nightly
codegen_flags: <defaults>
</compile_context>

<pallas_src>
import functools

import jax
import jax.numpy as jnp
from jax import lax
from jax.experimental import pallas as pl
from jax.experimental.pallas import tpu as pltpu
from jax.experimental.pallas import tpu_sc as plsc

N = 10000
E = 320000
D = 128

NC = 2
NS = 16
NW = NC * NS
KB = 64
KN = 160
NBUF = 5
EP = NW * KN * KB
NP = 10240
RS = NP // NS

_mesh = plsc.VectorSubcoreMesh(core_axis_name="c", subcore_axis_name="s")


@functools.partial(
    pl.kernel,
    out_type=(
        jax.ShapeDtypeStruct((NC, NP, D), jnp.float32),
        jax.ShapeDtypeStruct((NC, NP), jnp.float32),
    ),
    mesh=_mesh,
    scratch_types=[
        [pltpu.VMEM((2, KB), jnp.int32) for _ in range(NBUF)],
        [pltpu.VMEM((KB, D), jnp.float32) for _ in range(NBUF)],
        pltpu.VMEM((KB,), jnp.float32),
        pltpu.VMEM_SHARED((NP, D), jnp.float32),
        pltpu.VMEM_SHARED((NP,), jnp.float32),
        [pltpu.SemaphoreType.DMA for _ in range(NBUF)],
        [pltpu.SemaphoreType.DMA for _ in range(NBUF)],
        [pltpu.SemaphoreType.DMA for _ in range(NBUF)],
        [pltpu.SemaphoreType.DMA for _ in range(NBUF)],
    ],
)
def _sc_segsum(y_hbm, eidx_hbm, znd_hbm, zn_hbm,
               acc_out, cnt_out,
               idx, rows, ones_v, acc_sh, cnt_sh,
               isems, gsems, ssems, csems):
    cid = lax.axis_index("c")
    sid = lax.axis_index("s")
    wid = sid * NC + cid

    for i in range(KB // 16):
        ones_v[pl.ds(i * 16, 16)] = jnp.full((16,), 1.0, jnp.float32)

    pltpu.sync_copy(znd_hbm.at[pl.ds(sid * RS, RS)],
                    acc_sh.at[pl.ds(sid * RS, RS)])

    @pl.when(sid == 0)
    def _():
        pltpu.sync_copy(zn_hbm, cnt_sh)

    plsc.subcore_barrier()

    def fire_idx(j, b):
        pltpu.async_copy(eidx_hbm.at[wid, j], idx[b], isems[b])

    def wait_idx(j, b):
        pltpu.make_async_copy(eidx_hbm.at[wid, j], idx[b], isems[b]).wait()

    def fire_gather(b):
        pltpu.async_copy(y_hbm.at[idx[b].at[0]], rows[b], gsems[b])

    def wait_gather(b):
        pltpu.make_async_copy(y_hbm.at[idx[b].at[0]], rows[b],
                              gsems[b]).wait()

    def fire_scatter(b):
        return [pltpu.async_copy(rows[b], acc_sh.at[idx[b].at[1]],
                                 ssems[b], add=True),
                pltpu.async_copy(ones_v, cnt_sh.at[idx[b].at[1]],
                                 csems[b], add=True)]

    for b in range(NBUF):
        fire_idx(b, b)
    for b in range(NBUF):
        wait_idx(b, b)
        fire_gather(b)

    def group(g, carry):
        sdescs = []
        for b in range(NBUF):
            wait_gather(b)
            sdescs.append(fire_scatter(b))
        for b in range(NBUF):
            for dsc in sdescs[b]:
                dsc.wait()
            fire_idx((g + 1) * NBUF + b, b)
        for b in range(NBUF):
            wait_idx((g + 1) * NBUF + b, b)
            fire_gather(b)
        return carry

    lax.fori_loop(0, KN // NBUF - 1, group, 0)

    last = []
    for b in range(NBUF):
        wait_gather(b)
        last.append(fire_scatter(b))
    for descs in last:
        for dsc in descs:
            dsc.wait()

    plsc.subcore_barrier()

    pltpu.sync_copy(acc_sh.at[pl.ds(sid * RS, RS)],
                    acc_out.at[cid, pl.ds(sid * RS, RS)])

    @pl.when(sid == 0)
    def _():
        pltpu.sync_copy(cnt_sh, cnt_out.at[cid])


BR = 1000


def _pre_body(x_ref, wl_ref, wr_ref, b_ref, y_ref, r_ref):
    xb = x_ref[...]
    y_ref[...] = jnp.dot(xb, wl_ref[...], preferred_element_type=jnp.float32)
    r_ref[...] = (jnp.dot(xb, wr_ref[...], preferred_element_type=jnp.float32)
                  + b_ref[...])


_pre = pl.pallas_call(
    _pre_body,
    grid=(N // BR,),
    in_specs=[
        pl.BlockSpec((BR, D), lambda i: (i, 0)),
        pl.BlockSpec((D, D), lambda i: (0, 0)),
        pl.BlockSpec((D, D), lambda i: (0, 0)),
        pl.BlockSpec((1, D), lambda i: (0, 0)),
    ],
    out_specs=[pl.BlockSpec((BR, D), lambda i: (i, 0)),
               pl.BlockSpec((BR, D), lambda i: (i, 0))],
    out_shape=[jax.ShapeDtypeStruct((N, D), jnp.float32)] * 2,
)


def _fin_body(agg_ref, cnt_ref, r_ref, o_ref):
    agg = agg_ref[0] + agg_ref[1]
    cnt = cnt_ref[...]
    inv = 1.0 / jnp.maximum(cnt[:, 0:1] + cnt[:, 1:2], 1.0)
    o_ref[...] = jnp.maximum(agg * inv + r_ref[...], 0.0)


_fin = pl.pallas_call(
    _fin_body,
    grid=(N // BR,),
    in_specs=[
        pl.BlockSpec((NC, BR, D), lambda i: (0, i, 0)),
        pl.BlockSpec((BR, NC), lambda i: (i, 0)),
        pl.BlockSpec((BR, D), lambda i: (i, 0)),
    ],
    out_specs=pl.BlockSpec((BR, D), lambda i: (i, 0)),
    out_shape=jax.ShapeDtypeStruct((N, D), jnp.float32),
)


def kernel(x, edge_index, Wl1, Wr1, b1, Wl2, Wr2, b2):
    ei = edge_index.astype(jnp.int32)
    pad = EP - E
    ar = jnp.arange(pad, dtype=jnp.int32)
    src = jnp.concatenate([ei[0], ar % N])
    dst = jnp.concatenate([ei[1], N + (ar % (NP - N))])
    eidx = jnp.stack([src.reshape(NW, KN, KB), dst.reshape(NW, KN, KB)],
                     axis=2)
    znd = jnp.zeros((NP, D), jnp.float32)
    zn = jnp.zeros((NP,), jnp.float32)
    wls = jnp.stack([Wl1, Wl2])
    wrs = jnp.stack([Wr1, Wr2])
    bs = jnp.stack([b1.reshape(1, D), b2.reshape(1, D)])

    def layer(i, h):
        wl = lax.dynamic_index_in_dim(wls, i, keepdims=False)
        wr = lax.dynamic_index_in_dim(wrs, i, keepdims=False)
        b = lax.dynamic_index_in_dim(bs, i, keepdims=False)
        y, r = _pre(h, wl, wr, b)
        agg, cnt = _sc_segsum(y, eidx, znd, zn)
        return _fin(agg, cnt.T, r)

    return lax.fori_loop(0, 2, layer, x)

# --- scband reference (transcript-rebuilt; emitter-appended) ---
"""Pipeline reference for scband-graph-encoder-sequential-670014899123 (READ-ONLY COPY).

The authoritative reference and input builder live on the scoring server;
editing this copy changes nothing except your own understanding.
"""

import jax, jax.numpy as jnp
import numpy as np

N = 10000
E = 320000
D = 128

def _glorot(key, shape):
    fan_in, fan_out = shape[0], shape[1]
    lim = jnp.sqrt(6.0 / (fan_in + fan_out))
    return jax.random.uniform(key, shape, minval=-lim, maxval=lim, dtype=jnp.float32)

def setup_inputs(seed: int = 0) -> dict:
    key = jax.random.key(seed)
    ks = jax.random.split(key, 9)
    x = jax.random.normal(ks[0], (N, D), dtype=jnp.float32)
    edge_index = jax.random.randint(ks[1], (2, E), 0, N, dtype=jnp.int64)
    Wl1 = _glorot(ks[2], (D, D))
    Wr1 = _glorot(ks[3], (D, D))
    b1 = jnp.zeros((D,), dtype=jnp.float32)
    Wl2 = _glorot(ks[4], (D, D))
    Wr2 = _glorot(ks[5], (D, D))
    b2 = jnp.zeros((D,), dtype=jnp.float32)
    return {"x": x, "edge_index": edge_index, "Wl1": Wl1, "Wr1": Wr1, "b1": b1, "Wl2": Wl2, "Wr2": Wr2, "b2": b2}

def _sage_conv(x, edge_index, Wl, Wr, b):
    # PyG SAGEConv (mean aggregator): out = lin_l(mean_{j in N(i)} x_j) + lin_r(x_i)
    src = edge_index[0]
    dst = edge_index[1]
    msgs = jnp.take(x, src, axis=0)  # gather source node features per edge
    agg = jax.ops.segment_sum(msgs, dst, num_segments=N)
    cnt = jax.ops.segment_sum(jnp.ones((E,), dtype=x.dtype), dst, num_segments=N)
    mean = agg / jnp.clip(cnt, 1.0)[:, None]
    return mean @ Wl + x @ Wr + b

def reference(x, edge_index, Wl1, Wr1, b1, Wl2, Wr2, b2):
    # GraphEncoder with layer_name=SAGEConv, num_layers=2, relu activation,
    # no BN/GN/skip, dropout=0, activate_last=True
    h = _sage_conv(x, edge_index, Wl1, Wr1, b1)
    h = jax.nn.relu(h)
    h = _sage_conv(h, edge_index, Wl2, Wr2, b2)
    h = jax.nn.relu(h)
    return h

if __name__ == "__main__":
    import jax
    _d = setup_inputs()
    print(jax.jit(kernel)(*tuple(_d.values())))

</pallas_src>

<mosaic_0001>
#map = affine_map<(d0, d1) -> (0, 0)>
#map1 = affine_map<(d0, d1) -> (0, 0, 0, 0)>
#map2 = affine_map<(d0, d1) -> (0)>
#map3 = affine_map<(d0, d1) -> (0, 0, 0)>
module attributes {stable_mosaic.version = 14 : i64} {
  func.func @_sc_segsum(%arg0: i32, %arg1: i32, %arg2: memref<10000x128xf32, #tpu.memory_space<hbm>>, %arg3: memref<32x160x2x64xi32, #tpu.memory_space<hbm>>, %arg4: memref<10240x128xf32, #tpu.memory_space<hbm>>, %arg5: memref<10240xf32, #tpu.memory_space<hbm>>, %arg6: memref<2x10240x128xf32, #tpu.memory_space<hbm>>, %arg7: memref<2x10240xf32, #tpu.memory_space<hbm>>, %arg8: memref<2x64xi32, #tpu.memory_space<vmem>>, %arg9: memref<2x64xi32, #tpu.memory_space<vmem>>, %arg10: memref<2x64xi32, #tpu.memory_space<vmem>>, %arg11: memref<2x64xi32, #tpu.memory_space<vmem>>, %arg12: memref<2x64xi32, #tpu.memory_space<vmem>>, %arg13: memref<64x128xf32, #tpu.memory_space<vmem>>, %arg14: memref<64x128xf32, #tpu.memory_space<vmem>>, %arg15: memref<64x128xf32, #tpu.memory_space<vmem>>, %arg16: memref<64x128xf32, #tpu.memory_space<vmem>>, %arg17: memref<64x128xf32, #tpu.memory_space<vmem>>, %arg18: memref<64xf32, #tpu.memory_space<vmem>>, %arg19: memref<10240x128xf32, #tpu.memory_space<vmem_shared>>, %arg20: memref<10240xf32, #tpu.memory_space<vmem_shared>>, %arg21: memref<!tpu.dma_semaphore, #tpu.memory_space<semaphore_mem>>, %arg22: memref<!tpu.dma_semaphore, #tpu.memory_space<semaphore_mem>>, %arg23: memref<!tpu.dma_semaphore, #tpu.memory_space<semaphore_mem>>, %arg24: memref<!tpu.dma_semaphore, #tpu.memory_space<semaphore_mem>>, %arg25: memref<!tpu.dma_semaphore, #tpu.memory_space<semaphore_mem>>, %arg26: memref<!tpu.dma_semaphore, #tpu.memory_space<semaphore_mem>>, %arg27: memref<!tpu.dma_semaphore, #tpu.memory_space<semaphore_mem>>, %arg28: memref<!tpu.dma_semaphore, #tpu.memory_space<semaphore_mem>>, %arg29: memref<!tpu.dma_semaphore, #tpu.memory_space<semaphore_mem>>, %arg30: memref<!tpu.dma_semaphore, #tpu.memory_space<semaphore_mem>>, %arg31: memref<!tpu.dma_semaphore, #tpu.memory_space<semaphore_mem>>, %arg32: memref<!tpu.dma_semaphore, #tpu.memory_space<semaphore_mem>>, %arg33: memref<!tpu.dma_semaphore, #tpu.memory_space<semaphore_mem>>, %arg34: memref<!tpu.dma_semaphore, #tpu.memory_space<semaphore_mem>>, %arg35: memref<!tpu.dma_semaphore, #tpu.memory_space<semaphore_mem>>, %arg36: memref<!tpu.dma_semaphore, #tpu.memory_space<semaphore_mem>>, %arg37: memref<!tpu.dma_semaphore, #tpu.memory_space<semaphore_mem>>, %arg38: memref<!tpu.dma_semaphore, #tpu.memory_space<semaphore_mem>>, %arg39: memref<!tpu.dma_semaphore, #tpu.memory_space<semaphore_mem>>, %arg40: memref<!tpu.dma_semaphore, #tpu.memory_space<semaphore_mem>>) attributes {dimension_semantics = [#tpu.dimension_semantics<core_parallel>, #tpu.dimension_semantics<subcore_parallel>], iteration_bounds = array<i64: 2, 16>, scalar_prefetch = 0 : i64, scratch_operands = 33 : i64, tpu.core_type = #tpu.core_type<sc_vector_subcore>, window_params = [{transform_indices = #map}, {transform_indices = #map1}, {transform_indices = #map}, {transform_indices = #map2}, {transform_indices = #map3}, {transform_indices = #map}]} {
    %mul3A = arith.constant 2 : i32
    %mul3A_0 = arith.muli %arg1, %mul3A : i32
    %add3A = arith.addi %mul3A_0, %arg0 : i32
    %broadcast_in_dim3A = arith.constant 1.000000e+00 : f32
    %broadcast_in_dim3A_1 = vector.broadcast %broadcast_in_dim3A : f32 to vector<16xf32>
    %swap3A = arith.constant 0 : index
    %swap3A_2 = tpu.vector_load %arg18[%swap3A] {strides = array<i32>} : memref<64xf32, #tpu.memory_space<vmem>>, vector<16xf32>,
    %swap3A_3 = vector.shape_cast %swap3A_2 : vector<16xf32> to vector<16xf32>
    %swap3A_4 = vector.shape_cast %broadcast_in_dim3A_1 : vector<16xf32> to vector<16xf32>
    tpu.vector_store %arg18[%swap3A], %swap3A_4 {strides = array<i32>} : memref<64xf32, #tpu.memory_space<vmem>>, vector<16xf32>,
    %broadcast_in_dim3A_5 = arith.constant 1.000000e+00 : f32
    %broadcast_in_dim3A_6 = vector.broadcast %broadcast_in_dim3A_5 : f32 to vector<16xf32>
    %swap3A_7 = arith.constant 16 : index
    %swap3A_8 = tpu.vector_load %arg18[%swap3A_7] {strides = array<i32>} : memref<64xf32, #tpu.memory_space<vmem>>, vector<16xf32>,
    %swap3A_9 = vector.shape_cast %swap3A_8 : vector<16xf32> to vector<16xf32>
    %swap3A_10 = vector.shape_cast %broadcast_in_dim3A_6 : vector<16xf32> to vector<16xf32>
    tpu.vector_store %arg18[%swap3A_7], %swap3A_10 {strides = array<i32>} : memref<64xf32, #tpu.memory_space<vmem>>, vector<16xf32>,
    %broadcast_in_dim3A_11 = arith.constant 1.000000e+00 : f32
    %broadcast_in_dim3A_12 = vector.broadcast %broadcast_in_dim3A_11 : f32 to vector<16xf32>
    %swap3A_13 = arith.constant 32 : index
    %swap3A_14 = tpu.vector_load %arg18[%swap3A_13] {strides = array<i32>} : memref<64xf32, #tpu.memory_space<vmem>>, vector<16xf32>,
    %swap3A_15 = vector.shape_cast %swap3A_14 : vector<16xf32> to vector<16xf32>
    %swap3A_16 = vector.shape_cast %broadcast_in_dim3A_12 : vector<16xf32> to vector<16xf32>
    tpu.vector_store %arg18[%swap3A_13], %swap3A_16 {strides = array<i32>} : memref<64xf32, #tpu.memory_space<vmem>>, vector<16xf32>,
    %broadcast_in_dim3A_17 = arith.constant 1.000000e+00 : f32
    %broadcast_in_dim3A_18 = vector.broadcast %broadcast_in_dim3A_17 : f32 to vector<16xf32>
    %swap3A_19 = arith.constant 48 : index
    %swap3A_20 = tpu.vector_load %arg18[%swap3A_19] {strides = array<i32>} : memref<64xf32, #tpu.memory_space<vmem>>, vector<16xf32>,
    %swap3A_21 = vector.shape_cast %swap3A_20 : vector<16xf32> to vector<16xf32>
    %swap3A_22 = vector.shape_cast %broadcast_in_dim3A_18 : vector<16xf32> to vector<16xf32>
    tpu.vector_store %arg18[%swap3A_19], %swap3A_22 {strides = array<i32>} : memref<64xf32, #tpu.memory_space<vmem>>, vector<16xf32>,
    %mul3A_23 = arith.constant 640 : i32
    %mul3A_24 = arith.muli %arg1, %mul3A_23 : i32
    %mul3A_25 = arith.constant 640 : i32
    %mul3A_26 = arith.muli %arg1, %mul3A_25 : i32
    "tpu.region"() ({
      %run_scoped3A = tpu.sem_alloc : memref<!tpu.dma_semaphore, #tpu.memory_space<semaphore_mem>>
      %dma_start3A_332 = arith.constant 0 : i32
      %dma_start3A_333 = tpu.memref_slice %arg19[%mul3A_26, %dma_start3A_332] : memref<10240x128xf32, #tpu.memory_space<vmem_shared>> -> memref<640x128xf32, #tpu.memory_space<vmem_shared>>
      %dma_start3A_334 = arith.constant 0 : i32
      %dma_start3A_335 = tpu.memref_slice %arg4[%mul3A_24, %dma_start3A_334] : memref<10240x128xf32, #tpu.memory_space<hbm>> -> memref<640x128xf32, #tpu.memory_space<hbm>>
      tpu.enqueue_dma source(%dma_start3A_335 : memref<640x128xf32, #tpu.memory_space<hbm>>) target(%dma_start3A_333 : memref<640x128xf32, #tpu.memory_space<vmem_shared>>) target_semaphore(%run_scoped3A : memref<!tpu.dma_semaphore, #tpu.memory_space<semaphore_mem>>)
      %dma_wait3A_336 = arith.constant 0 : i32
      %dma_wait3A_337 = tpu.memref_slice %arg19[%mul3A_26, %dma_wait3A_336] : memref<10240x128xf32, #tpu.memory_space<vmem_shared>> -> memref<640x128xf32, #tpu.memory_space<vmem_shared>>
      %dma_wait3A_338 = arith.constant 0 : i32
      %dma_wait3A_339 = tpu.memref_slice %arg4[%mul3A_24, %dma_wait3A_338] : memref<10240x128xf32, #tpu.memory_space<hbm>> -> memref<640x128xf32, #tpu.memory_space<hbm>>
      tpu.wait_dma2 semaphore(%run_scoped3A : memref<!tpu.dma_semaphore, #tpu.memory_space<semaphore_mem>>) src(%dma_wait3A_339 : memref<640x128xf32, #tpu.memory_space<hbm>>) dst(%dma_wait3A_337 : memref<640x128xf32, #tpu.memory_space<vmem_shared>>)
      tpu.yield
    }) : () -> ()
    %eq3A = arith.constant 0 : i32
    %eq3A_27 = arith.cmpi eq, %arg1, %eq3A : i32
    %convert_element_type3A = arith.extui %eq3A_27 : i1 to i32
    %cond3A = arith.constant 0 : i32
    %cond3A_28 = arith.cmpi ne, %convert_element_type3A, %cond3A : i32
    scf.if %cond3A_28 {
      "tpu.region"() ({
        %run_scoped3A = tpu.sem_alloc : memref<!tpu.dma_semaphore, #tpu.memory_space<semaphore_mem>>
        tpu.enqueue_dma source(%arg5 : memref<10240xf32, #tpu.memory_space<hbm>>) target(%arg20 : memref<10240xf32, #tpu.memory_space<vmem_shared>>) target_semaphore(%run_scoped3A : memref<!tpu.dma_semaphore, #tpu.memory_space<semaphore_mem>>)
        tpu.wait_dma2 semaphore(%run_scoped3A : memref<!tpu.dma_semaphore, #tpu.memory_space<semaphore_mem>>) src(%arg5 : memref<10240xf32, #tpu.memory_space<hbm>>) dst(%arg20 : memref<10240xf32, #tpu.memory_space<vmem_shared>>)
        tpu.yield
      }) : () -> ()
    } else {
    }
    %barrier3A = arith.constant 0 : index
    tpu.barrier barrier_id(%barrier3A)
    %dma_start3A = arith.constant 0 : i32
    %dma_start3A_29 = arith.constant 0 : i32
    %dma_start3A_30 = arith.constant 0 : i32
    %dma_start3A_31 = tpu.memref_slice %arg3[%add3A, %dma_start3A, %dma_start3A_29, %dma_start3A_30] : memref<32x160x2x64xi32, #tpu.memory_space<hbm>> -> memref<1x1x2x64xi32, #tpu.memory_space<hbm>>
    %dma_start3A_32 = tpu.memref_squeeze %dma_start3A_31 : memref<1x1x2x64xi32, #tpu.memory_space<hbm>> -> memref<2x64xi32, #tpu.memory_space<hbm>>
    %dma_start3A_33 = arith.constant 0 : i32
    %dma_start3A_34 = arith.constant 0 : i32
    %dma_start3A_35 = tpu.memref_slice %arg3[%add3A, %dma_start3A, %dma_start3A_33, %dma_start3A_34] : memref<32x160x2x64xi32, #tpu.memory_space<hbm>> -> memref<1x1x2x64xi32, #tpu.memory_space<hbm>>
    %dma_start3A_36 = tpu.memref_squeeze %dma_start3A_35 : memref<1x1x2x64xi32, #tpu.memory_space<hbm>> -> memref<2x64xi32, #tpu.memory_space<hbm>>
    tpu.enqueue_dma source(%dma_start3A_36 : memref<2x64xi32, #tpu.memory_space<hbm>>) target(%arg8 : memref<2x64xi32, #tpu.memory_space<vmem>>) target_semaphore(%arg21 : memref<!tpu.dma_semaphore, #tpu.memory_space<semaphore_mem>>)
    %dma_start3A_37 = arith.constant 1 : i32
    %dma_start3A_38 = arith.constant 0 : i32
    %dma_start3A_39 = arith.constant 0 : i32
    %dma_start3A_40 = tpu.memref_slice %arg3[%add3A, %dma_start3A_37, %dma_start3A_38, %dma_start3A_39] : memref<32x160x2x64xi32, #tpu.memory_space<hbm>> -> memref<1x1x2x64xi32, #tpu.memory_space<hbm>>
    %dma_start3A_41 = tpu.memref_squeeze %dma_start3A_40 : memref<1x1x2x64xi32, #tpu.memory_space<hbm>> -> memref<2x64xi32, #tpu.memory_space<hbm>>
    %dma_start3A_42 = arith.constant 0 : i32
    %dma_start3A_43 = arith.constant 0 : i32
    %dma_start3A_44 = tpu.memref_slice %arg3[%add3A, %dma_start3A_37, %dma_start3A_42, %dma_start3A_43] : memref<32x160x2x64xi32, #tpu.memory_space<hbm>> -> memref<1x1x2x64xi32, #tpu.memory_space<hbm>>
    %dma_start3A_45 = tpu.memref_squeeze %dma_start3A_44 : memref<1x1x2x64xi32, #tpu.memory_space<hbm>> -> memref<2x64xi32, #tpu.memory_space<hbm>>
    tpu.enqueue_dma source(%dma_start3A_45 : memref<2x64xi32, #tpu.memory_space<hbm>>) target(%arg9 : memref<2x64xi32, #tpu.memory_space<vmem>>) target_semaphore(%arg22 : memref<!tpu.dma_semaphore, #tpu.memory_space<semaphore_mem>>)
    %dma_start3A_46 = arith.constant 2 : i32
    %dma_start3A_47 = arith.constant 0 : i32
    %dma_start3A_48 = arith.constant 0 : i32
    %dma_start3A_49 = tpu.memref_slice %arg3[%add3A, %dma_start3A_46, %dma_start3A_47, %dma_start3A_48] : memref<32x160x2x64xi32, #tpu.memory_space<hbm>> -> memref<1x1x2x64xi32, #tpu.memory_space<hbm>>
    %dma_start3A_50 = tpu.memref_squeeze %dma_start3A_49 : memref<1x1x2x64xi32, #tpu.memory_space<hbm>> -> memref<2x64xi32, #tpu.memory_space<hbm>>
    %dma_start3A_51 = arith.constant 0 : i32
    %dma_start3A_52 = arith.constant 0 : i32
    %dma_start3A_53 = tpu.memref_slice %arg3[%add3A, %dma_start3A_46, %dma_start3A_51, %dma_start3A_52] : memref<32x160x2x64xi32, #tpu.memory_space<hbm>> -> memref<1x1x2x64xi32, #tpu.memory_space<hbm>>
    %dma_start3A_54 = tpu.memref_squeeze %dma_start3A_53 : memref<1x1x2x64xi32, #tpu.memory_space<hbm>> -> memref<2x64xi32, #tpu.memory_space<hbm>>
    tpu.enqueue_dma source(%dma_start3A_54 : memref<2x64xi32, #tpu.memory_space<hbm>>) target(%arg10 : memref<2x64xi32, #tpu.memory_space<vmem>>) target_semaphore(%arg23 : memref<!tpu.dma_semaphore, #tpu.memory_space<semaphore_mem>>)
    %dma_start3A_55 = arith.constant 3 : i32
    %dma_start3A_56 = arith.constant 0 : i32
    %dma_start3A_57 = arith.constant 0 : i32
    %dma_start3A_58 = tpu.memref_slice %arg3[%add3A, %dma_start3A_55, %dma_start3A_56, %dma_start3A_57] : memref<32x160x2x64xi32, #tpu.memory_space<hbm>> -> memref<1x1x2x64xi32, #tpu.memory_space<hbm>>
    %dma_start3A_59 = tpu.memref_squeeze %dma_start3A_58 : memref<1x1x2x64xi32, #tpu.memory_space<hbm>> -> memref<2x64xi32, #tpu.memory_space<hbm>>
    %dma_start3A_60 = arith.constant 0 : i32
    %dma_start3A_61 = arith.constant 0 : i32
    %dma_start3A_62 = tpu.memref_slice %arg3[%add3A, %dma_start3A_55, %dma_start3A_60, %dma_start3A_61] : memref<32x160x2x64xi32, #tpu.memory_space<hbm>> -> memref<1x1x2x64xi32, #tpu.memory_space<hbm>>
    %dma_start3A_63 = tpu.memref_squeeze %dma_start3A_62 : memref<1x1x2x64xi32, #tpu.memory_space<hbm>> -> memref<2x64xi32, #tpu.memory_space<hbm>>
    tpu.enqueue_dma source(%dma_start3A_63 : memref<2x64xi32, #tpu.memory_space<hbm>>) target(%arg11 : memref<2x64xi32, #tpu.memory_space<vmem>>) target_semaphore(%arg24 : memref<!tpu.dma_semaphore, #tpu.memory_space<semaphore_mem>>)
    %dma_start3A_64 = arith.constant 4 : i32
    %dma_start3A_65 = arith.constant 0 : i32
    %dma_start3A_66 = arith.constant 0 : i32
    %dma_start3A_67 = tpu.memref_slice %arg3[%add3A, %dma_start3A_64, %dma_start3A_65, %dma_start3A_66] : memref<32x160x2x64xi32, #tpu.memory_space<hbm>> -> memref<1x1x2x64xi32, #tpu.memory_space<hbm>>
    %dma_start3A_68 = tpu.memref_squeeze %dma_start3A_67 : memref<1x1x2x64xi32, #tpu.memory_space<hbm>> -> memref<2x64xi32, #tpu.memory_space<hbm>>
    %dma_start3A_69 = arith.constant 0 : i32
    %dma_start3A_70 = arith.constant 0 : i32
    %dma_start3A_71 = tpu.memref_slice %arg3[%add3A, %dma_start3A_64, %dma_start3A_69, %dma_start3A_70] : memref<32x160x2x64xi32, #tpu.memory_space<hbm>> -> memref<1x1x2x64xi32, #tpu.memory_space<hbm>>
    %dma_start3A_72 = tpu.memref_squeeze %dma_start3A_71 : memref<1x1x2x64xi32, #tpu.memory_space<hbm>> -> memref<2x64xi32, #tpu.memory_space<hbm>>
    tpu.enqueue_dma source(%dma_start3A_72 : memref<2x64xi32, #tpu.memory_space<hbm>>) target(%arg12 : memref<2x64xi32, #tpu.memory_space<vmem>>) target_semaphore(%arg25 : memref<!tpu.dma_semaphore, #tpu.memory_space<semaphore_mem>>)
    %dma_wait3A = arith.constant 0 : i32
    %dma_wait3A_73 = arith.constant 0 : i32
    %dma_wait3A_74 = arith.constant 0 : i32
    %dma_wait3A_75 = tpu.memref_slice %arg3[%add3A, %dma_wait3A, %dma_wait3A_73, %dma_wait3A_74] : memref<32x160x2x64xi32, #tpu.memory_space<hbm>> -> memref<1x1x2x64xi32, #tpu.memory_space<hbm>>
    %dma_wait3A_76 = tpu.memref_squeeze %dma_wait3A_75 : memref<1x1x2x64xi32, #tpu.memory_space<hbm>> -> memref<2x64xi32, #tpu.memory_space<hbm>>
    %dma_wait3A_77 = arith.constant 0 : i32
    %dma_wait3A_78 = arith.constant 0 : i32
    %dma_wait3A_79 = tpu.memref_slice %arg3[%add3A, %dma_wait3A, %dma_wait3A_77, %dma_wait3A_78] : memref<32x160x2x64xi32, #tpu.memory_space<hbm>> -> memref<1x1x2x64xi32, #tpu.memory_space<hbm>>
    %dma_wait3A_80 = tpu.memref_squeeze %dma_wait3A_79 : memref<1x1x2x64xi32, #tpu.memory_space<hbm>> -> memref<2x64xi32, #tpu.memory_space<hbm>>
    tpu.wait_dma2 semaphore(%arg21 : memref<!tpu.dma_semaphore, #tpu.memory_space<semaphore_mem>>) src(%dma_wait3A_80 : memref<2x64xi32, #tpu.memory_space<hbm>>) dst(%arg8 : memref<2x64xi32, #tpu.memory_space<vmem>>)
    %dma_start3A_81 = arith.constant 0 : i32
    %dma_start3A_82 = arith.constant 0 : i32
    %dma_start3A_83 = tpu.memref_slice %arg8[%dma_start3A_81, %dma_start3A_82] : memref<2x64xi32, #tpu.memory_space<vmem>> -> memref<1x64xi32, #tpu.memory_space<vmem>>
    %dma_start3A_84 = tpu.memref_squeeze %dma_start3A_83 : memref<1x64xi32, #tpu.memory_space<vmem>> -> memref<64xi32, #tpu.memory_space<vmem>>
    %dma_start3A_85 = arith.constant 0 : i32
    %dma_start3A_86 = arith.constant 0 : i32
    %dma_start3A_87 = tpu.memref_slice %arg2[%dma_start3A_85, %dma_start3A_86] : memref<10000x128xf32, #tpu.memory_space<hbm>> -> memref<10000x128xf32, #tpu.memory_space<hbm>>
    tpu.enqueue_indirect_dma source(%dma_start3A_87 : memref<10000x128xf32, #tpu.memory_space<hbm>>) target(%arg13 : memref<64x128xf32, #tpu.memory_space<vmem>>) offsets(%dma_start3A_84 : memref<64xi32, #tpu.memory_space<vmem>>) semaphore(%arg26 : memref<!tpu.dma_semaphore, #tpu.memory_space<semaphore_mem>>)
    %dma_wait3A_88 = arith.constant 1 : i32
    %dma_wait3A_89 = arith.constant 0 : i32
    %dma_wait3A_90 = arith.constant 0 : i32
    %dma_wait3A_91 = tpu.memref_slice %arg3[%add3A, %dma_wait3A_88, %dma_wait3A_89, %dma_wait3A_90] : memref<32x160x2x64xi32, #tpu.memory_space<hbm>> -> memref<1x1x2x64xi32, #tpu.memory_space<hbm>>
    %dma_wait3A_92 = tpu.memref_squeeze %dma_wait3A_91 : memref<1x1x2x64xi32, #tpu.memory_space<hbm>> -> memref<2x64xi32, #tpu.memory_space<hbm>>
    %dma_wait3A_93 = arith.constant 0 : i32
    %dma_wait3A_94 = arith.constant 0 : i32
    %dma_wait3A_95 = tpu.memref_slice %arg3[%add3A, %dma_wait3A_88, %dma_wait3A_93, %dma_wait3A_94] : memref<32x160x2x64xi32, #tpu.memory_space<hbm>> -> memref<1x1x2x64xi32, #tpu.memory_space<hbm>>
    %dma_wait3A_96 = tpu.memref_squeeze %dma_wait3A_95 : memref<1x1x2x64xi32, #tpu.memory_space<hbm>> -> memref<2x64xi32, #tpu.memory_space<hbm>>
    tpu.wait_dma2 semaphore(%arg22 : memref<!tpu.dma_semaphore, #tpu.memory_space<semaphore_mem>>) src(%dma_wait3A_96 : memref<2x64xi32, #tpu.memory_space<hbm>>) dst(%arg9 : memref<2x64xi32, #tpu.memory_space<vmem>>)
    %dma_start3A_97 = arith.constant 0 : i32
    %dma_start3A_98 = arith.constant 0 : i32
    %dma_start3A_99 = tpu.memref_slice %arg9[%dma_start3A_97, %dma_start3A_98] : memref<2x64xi32, #tpu.memory_space<vmem>> -> memref<1x64xi32, #tpu.memory_space<vmem>>
    %dma_start3A_100 = tpu.memref_squeeze %dma_start3A_99 : memref<1x64xi32, #tpu.memory_space<vmem>> -> memref<64xi32, #tpu.memory_space<vmem>>
    %dma_start3A_101 = arith.constant 0 : i32
    %dma_start3A_102 = arith.constant 0 : i32
    %dma_start3A_103 = tpu.memref_slice %arg2[%dma_start3A_101, %dma_start3A_102] : memref<10000x128xf32, #tpu.memory_space<hbm>> -> memref<10000x128xf32, #tpu.memory_space<hbm>>
    tpu.enqueue_indirect_dma source(%dma_start3A_103 : memref<10000x128xf32, #tpu.memory_space<hbm>>) target(%arg14 : memref<64x128xf32, #tpu.memory_space<vmem>>) offsets(%dma_start3A_100 : memref<64xi32, #tpu.memory_space<vmem>>) semaphore(%arg27 : memref<!tpu.dma_semaphore, #tpu.memory_space<semaphore_mem>>)
    %dma_wait3A_104 = arith.constant 2 : i32
    %dma_wait3A_105 = arith.constant 0 : i32
    %dma_wait3A_106 = arith.constant 0 : i32
    %dma_wait3A_107 = tpu.memref_slice %arg3[%add3A, %dma_wait3A_104, %dma_wait3A_105, %dma_wait3A_106] : memref<32x160x2x64xi32, #tpu.memory_space<hbm>> -> memref<1x1x2x64xi32, #tpu.memory_space<hbm>>
    %dma_wait3A_108 = tpu.memref_squeeze %dma_wait3A_107 : memref<1x1x2x64xi32, #tpu.memory_space<hbm>> -> memref<2x64xi32, #tpu.memory_space<hbm>>
    %dma_wait3A_109 = arith.constant 0 : i32
    %dma_wait3A_110 = arith.constant 0 : i32
    %dma_wait3A_111 = tpu.memref_slice %arg3[%add3A, %dma_wait3A_104, %dma_wait3A_109, %dma_wait3A_110] : memref<32x160x2x64xi32, #tpu.memory_space<hbm>> -> memref<1x1x2x64xi32, #tpu.memory_space<hbm>>
    %dma_wait3A_112 = tpu.memref_squeeze %dma_wait3A_111 : memref<1x1x2x64xi32, #tpu.memory_space<hbm>> -> memref<2x64xi32, #tpu.memory_space<hbm>>
    tpu.wait_dma2 semaphore(%arg23 : memref<!tpu.dma_semaphore, #tpu.memory_space<semaphore_mem>>) src(%dma_wait3A_112 : memref<2x64xi32, #tpu.memory_space<hbm>>) dst(%arg10 : memref<2x64xi32, #tpu.memory_space<vmem>>)
    %dma_start3A_113 = arith.constant 0 : i32
    %dma_start3A_114 = arith.constant 0 : i32
    %dma_start3A_115 = tpu.memref_slice %arg10[%dma_start3A_113, %dma_start3A_114] : memref<2x64xi32, #tpu.memory_space<vmem>> -> memref<1x64xi32, #tpu.memory_space<vmem>>
    %dma_start3A_116 = tpu.memref_squeeze %dma_start3A_115 : memref<1x64xi32, #tpu.memory_space<vmem>> -> memref<64xi32, #tpu.memory_space<vmem>>
    %dma_start3A_117 = arith.constant 0 : i32
    %dma_start3A_118 = arith.constant 0 : i32
    %dma_start3A_119 = tpu.memref_slice %arg2[%dma_start3A_117, %dma_start3A_118] : memref<10000x128xf32, #tpu.memory_space<hbm>> -> memref<10000x128xf32, #tpu.memory_space<hbm>>
    tpu.enqueue_indirect_dma source(%dma_start3A_119 : memref<10000x128xf32, #tpu.memory_space<hbm>>) target(%arg15 : memref<64x128xf32, #tpu.memory_space<vmem>>) offsets(%dma_start3A_116 : memref<64xi32, #tpu.memory_space<vmem>>) semaphore(%arg28 : memref<!tpu.dma_semaphore, #tpu.memory_space<semaphore_mem>>)
    %dma_wait3A_120 = arith.constant 3 : i32
    %dma_wait3A_121 = arith.constant 0 : i32
    %dma_wait3A_122 = arith.constant 0 : i32
    %dma_wait3A_123 = tpu.memref_slice %arg3[%add3A, %dma_wait3A_120, %dma_wait3A_121, %dma_wait3A_122] : memref<32x160x2x64xi32, #tpu.memory_space<hbm>> -> memref<1x1x2x64xi32, #tpu.memory_space<hbm>>
    %dma_wait3A_124 = tpu.memref_squeeze %dma_wait3A_123 : memref<1x1x2x64xi32, #tpu.memory_space<hbm>> -> memref<2x64xi32, #tpu.memory_space<hbm>>
    %dma_wait3A_125 = arith.constant 0 : i32
    %dma_wait3A_126 = arith.constant 0 : i32
    %dma_wait3A_127 = tpu.memref_slice %arg3[%add3A, %dma_wait3A_120, %dma_wait3A_125, %dma_wait3A_126] : memref<32x160x2x64xi32, #tpu.memory_space<hbm>> -> memref<1x1x2x64xi32, #tpu.memory_space<hbm>>
    %dma_wait3A_128 = tpu.memref_squeeze %dma_wait3A_127 : memref<1x1x2x64xi32, #tpu.memory_space<hbm>> -> memref<2x64xi32, #tpu.memory_space<hbm>>
    tpu.wait_dma2 semaphore(%arg24 : memref<!tpu.dma_semaphore, #tpu.memory_space<semaphore_mem>>) src(%dma_wait3A_128 : memref<2x64xi32, #tpu.memory_space<hbm>>) dst(%arg11 : memref<2x64xi32, #tpu.memory_space<vmem>>)
    %dma_start3A_129 = arith.constant 0 : i32
    %dma_start3A_130 = arith.constant 0 : i32
    %dma_start3A_131 = tpu.memref_slice %arg11[%dma_start3A_129, %dma_start3A_130] : memref<2x64xi32, #tpu.memory_space<vmem>> -> memref<1x64xi32, #tpu.memory_space<vmem>>
    %dma_start3A_132 = tpu.memref_squeeze %dma_start3A_131 : memref<1x64xi32, #tpu.memory_space<vmem>> -> memref<64xi32, #tpu.memory_space<vmem>>
    %dma_start3A_133 = arith.constant 0 : i32
    %dma_start3A_134 = arith.constant 0 : i32
    %dma_start3A_135 = tpu.memref_slice %arg2[%dma_start3A_133, %dma_start3A_134] : memref<10000x128xf32, #tpu.memory_space<hbm>> -> memref<10000x128xf32, #tpu.memory_space<hbm>>
    tpu.enqueue_indirect_dma source(%dma_start3A_135 : memref<10000x128xf32, #tpu.memory_space<hbm>>) target(%arg16 : memref<64x128xf32, #tpu.memory_space<vmem>>) offsets(%dma_start3A_132 : memref<64xi32, #tpu.memory_space<vmem>>) semaphore(%arg29 : memref<!tpu.dma_semaphore, #tpu.memory_space<semaphore_mem>>)
    %dma_wait3A_136 = arith.constant 4 : i32
    %dma_wait3A_137 = arith.constant 0 : i32
    %dma_wait3A_138 = arith.constant 0 : i32
    %dma_wait3A_139 = tpu.memref_slice %arg3[%add3A, %dma_wait3A_136, %dma_wait3A_137, %dma_wait3A_138] : memref<32x160x2x64xi32, #tpu.memory_space<hbm>> -> memref<1x1x2x64xi32, #tpu.memory_space<hbm>>
    %dma_wait3A_140 = tpu.memref_squeeze %dma_wait3A_139 : memref<1x1x2x64xi32, #tpu.memory_space<hbm>> -> memref<2x64xi32, #tpu.memory_space<hbm>>
    %dma_wait3A_141 = arith.constant 0 : i32
    %dma_wait3A_142 = arith.constant 0 : i32
    %dma_wait3A_143 = tpu.memref_slice %arg3[%add3A, %dma_wait3A_136, %dma_wait3A_141, %dma_wait3A_142] : memref<32x160x2x64xi32, #tpu.memory_space<hbm>> -> memref<1x1x2x64xi32, #tpu.memory_space<hbm>>
    %dma_wait3A_144 = tpu.memref_squeeze %dma_wait3A_143 : memref<1x1x2x64xi32, #tpu.memory_space<hbm>> -> memref<2x64xi32, #tpu.memory_space<hbm>>
    tpu.wait_dma2 semaphore(%arg25 : memref<!tpu.dma_semaphore, #tpu.memory_space<semaphore_mem>>) src(%dma_wait3A_144 : memref<2x64xi32, #tpu.memory_space<hbm>>) dst(%arg12 : memref<2x64xi32, #tpu.memory_space<vmem>>)
    %dma_start3A_145 = arith.constant 0 : i32
    %dma_start3A_146 = arith.constant 0 : i32
    %dma_start3A_147 = tpu.memref_slice %arg12[%dma_start3A_145, %dma_start3A_146] : memref<2x64xi32, #tpu.memory_space<vmem>> -> memref<1x64xi32, #tpu.memory_space<vmem>>
    %dma_start3A_148 = tpu.memref_squeeze %dma_start3A_147 : memref<1x64xi32, #tpu.memory_space<vmem>> -> memref<64xi32, #tpu.memory_space<vmem>>
    %dma_start3A_149 = arith.constant 0 : i32
    %dma_start3A_150 = arith.constant 0 : i32
    %dma_start3A_151 = tpu.memref_slice %arg2[%dma_start3A_149, %dma_start3A_150] : memref<10000x128xf32, #tpu.memory_space<hbm>> -> memref<10000x128xf32, #tpu.memory_space<hbm>>
    tpu.enqueue_indirect_dma source(%dma_start3A_151 : memref<10000x128xf32, #tpu.memory_space<hbm>>) target(%arg17 : memref<64x128xf32, #tpu.memory_space<vmem>>) offsets(%dma_start3A_148 : memref<64xi32, #tpu.memory_space<vmem>>) semaphore(%arg30 : memref<!tpu.dma_semaphore, #tpu.memory_space<semaphore_mem>>)
    %scan3A = arith.constant 0 : i32
    %scan3A_152 = arith.constant 0 : i32
    %scan3A_153 = arith.constant 31 : i32
    %scan3A_154 = arith.addi %scan3A_152, %scan3A_153 : i32
    %scan3A_155 = arith.constant 1 : i32
    scf.for %scan3A_332 = %scan3A_152 to %scan3A_154 step %scan3A_155  : i32 {
      %dma_wait3A_333 = arith.constant 0 : i32
      %dma_wait3A_334 = arith.constant 0 : i32
      %dma_wait3A_335 = tpu.memref_slice %arg8[%dma_wait3A_333, %dma_wait3A_334] : memref<2x64xi32, #tpu.memory_space<vmem>> -> memref<1x64xi32, #tpu.memory_space<vmem>>
      %dma_wait3A_336 = tpu.memref_squeeze %dma_wait3A_335 : memref<1x64xi32, #tpu.memory_space<vmem>> -> memref<64xi32, #tpu.memory_space<vmem>>
      %dma_wait3A_337 = arith.constant 0 : i32
      %dma_wait3A_338 = arith.constant 0 : i32
      %dma_wait3A_339 = tpu.memref_slice %arg2[%dma_wait3A_337, %dma_wait3A_338] : memref<10000x128xf32, #tpu.memory_space<hbm>> -> memref<10000x128xf32, #tpu.memory_space<hbm>>
      tpu.wait_indirect_dma semaphore(%arg26 : memref<!tpu.dma_semaphore, #tpu.memory_space<semaphore_mem>>) src(%dma_wait3A_339 : memref<10000x128xf32, #tpu.memory_space<hbm>>) dst(%arg13 : memref<64x128xf32, #tpu.memory_space<vmem>>)
      %dma_start3A_340 = arith.constant 1 : i32
      %dma_start3A_341 = arith.constant 0 : i32
      %dma_start3A_342 = tpu.memref_slice %arg8[%dma_start3A_340, %dma_start3A_341] : memref<2x64xi32, #tpu.memory_space<vmem>> -> memref<1x64xi32, #tpu.memory_space<vmem>>
      %dma_start3A_343 = tpu.memref_squeeze %dma_start3A_342 : memref<1x64xi32, #tpu.memory_space<vmem>> -> memref<64xi32, #tpu.memory_space<vmem>>
      %dma_start3A_344 = arith.constant 0 : i32
      %dma_start3A_345 = arith.constant 0 : i32
      %dma_start3A_346 = tpu.memref_slice %arg19[%dma_start3A_344, %dma_start3A_345] : memref<10240x128xf32, #tpu.memory_space<vmem_shared>> -> memref<10240x128xf32, #tpu.memory_space<vmem_shared>>
      tpu.enqueue_indirect_dma source(%arg13 : memref<64x128xf32, #tpu.memory_space<vmem>>) target(%dma_start3A_346 : memref<10240x128xf32, #tpu.memory_space<vmem_shared>>) offsets(%dma_start3A_343 : memref<64xi32, #tpu.memory_space<vmem>>) semaphore(%arg31 : memref<!tpu.dma_semaphore, #tpu.memory_space<semaphore_mem>>) {add = true}
      %dma_start3A_347 = arith.constant 1 : i32
      %dma_start3A_348 = arith.constant 0 : i32
      %dma_start3A_349 = tpu.memref_slice %arg8[%dma_start3A_347, %dma_start3A_348] : memref<2x64xi32, #tpu.memory_space<vmem>> -> memref<1x64xi32, #tpu.memory_space<vmem>>
      %dma_start3A_350 = tpu.memref_squeeze %dma_start3A_349 : memref<1x64xi32, #tpu.memory_space<vmem>> -> memref<64xi32, #tpu.memory_space<vmem>>
      %dma_start3A_351 = arith.constant 0 : i32
      %dma_start3A_352 = tpu.memref_slice %arg20[%dma_start3A_351] : memref<10240xf32, #tpu.memory_space<vmem_shared>> -> memref<10240xf32, #tpu.memory_space<vmem_shared>>
      tpu.enqueue_indirect_dma source(%arg18 : memref<64xf32, #tpu.memory_space<vmem>>) target(%dma_start3A_352 : memref<10240xf32, #tpu.memory_space<vmem_shared>>) offsets(%dma_start3A_350 : memref<64xi32, #tpu.memory_space<vmem>>) semaphore(%arg36 : memref<!tpu.dma_semaphore, #tpu.memory_space<semaphore_mem>>) {add = true}
      %dma_wait3A_353 = arith.constant 0 : i32
      %dma_wait3A_354 = arith.constant 0 : i32
      %dma_wait3A_355 = tpu.memref_slice %arg9[%dma_wait3A_353, %dma_wait3A_354] : memref<2x64xi32, #tpu.memory_space<vmem>> -> memref<1x64xi32, #tpu.memory_space<vmem>>
      %dma_wait3A_356 = tpu.memref_squeeze %dma_wait3A_355 : memref<1x64xi32, #tpu.memory_space<vmem>> -> memref<64xi32, #tpu.memory_space<vmem>>
      %dma_wait3A_357 = arith.constant 0 : i32
      %dma_wait3A_358 = arith.constant 0 : i32
      %dma_wait3A_359 = tpu.memref_slice %arg2[%dma_wait3A_357, %dma_wait3A_358] : memref<10000x128xf32, #tpu.memory_space<hbm>> -> memref<10000x128xf32, #tpu.memory_space<hbm>>
      tpu.wait_indirect_dma semaphore(%arg27 : memref<!tpu.dma_semaphore, #tpu.memory_space<semaphore_mem>>) src(%dma_wait3A_359 : memref<10000x128xf32, #tpu.memory_space<hbm>>) dst(%arg14 : memref<64x128xf32, #tpu.memory_space<vmem>>)
      %dma_start3A_360 = arith.constant 1 : i32
      %dma_start3A_361 = arith.constant 0 : i32
      %dma_start3A_362 = tpu.memref_slice %arg9[%dma_start3A_360, %dma_start3A_361] : memref<2x64xi32, #tpu.memory_space<vmem>> -> memref<1x64xi32, #tpu.memory_space<vmem>>
      %dma_start3A_363 = tpu.memref_squeeze %dma_start3A_362 : memref<1x64xi32, #tpu.memory_space<vmem>> -> memref<64xi32, #tpu.memory_space<vmem>>
      %dma_start3A_364 = arith.constant 0 : i32
      %dma_start3A_365 = arith.constant 0 : i32
      %dma_start3A_366 = tpu.memref_slice %arg19[%dma_start3A_364, %dma_start3A_365] : memref<10240x128xf32, #tpu.memory_space<vmem_shared>> -> memref<10240x128xf32, #tpu.memory_space<vmem_shared>>
      tpu.enqueue_indirect_dma source(%arg14 : memref<64x128xf32, #tpu.memory_space<vmem>>) target(%dma_start3A_366 : memref<10240x128xf32, #tpu.memory_space<vmem_shared>>) offsets(%dma_start3A_363 : memref<64xi32, #tpu.memory_space<vmem>>) semaphore(%arg32 : memref<!tpu.dma_semaphore, #tpu.memory_space<semaphore_mem>>) {add = true}
      %dma_start3A_367 = arith.constant 1 : i32
      %dma_start3A_368 = arith.constant 0 : i32
      %dma_start3A_369 = tpu.memref_slice %arg9[%dma_start3A_367, %dma_start3A_368] : memref<2x64xi32, #tpu.memory_space<vmem>> -> memref<1x64xi32, #tpu.memory_space<vmem>>
      %dma_start3A_370 = tpu.memref_squeeze %dma_start3A_369 : memref<1x64xi32, #tpu.memory_space<vmem>> -> memref<64xi32, #tpu.memory_space<vmem>>
      %dma_start3A_371 = arith.constant 0 : i32
      %dma_start3A_372 = tpu.memref_slice %arg20[%dma_start3A_371] : memref<10240xf32, #tpu.memory_space<vmem_shared>> -> memref<10240xf32, #tpu.memory_space<vmem_shared>>
      tpu.enqueue_indirect_dma source(%arg18 : memref<64xf32, #tpu.memory_space<vmem>>) target(%dma_start3A_372 : memref<10240xf32, #tpu.memory_space<vmem_shared>>) offsets(%dma_start3A_370 : memref<64xi32, #tpu.memory_space<vmem>>) semaphore(%arg37 : memref<!tpu.dma_semaphore, #tpu.memory_space<semaphore_mem>>) {add = true}
      %dma_wait3A_373 = arith.constant 0 : i32
      %dma_wait3A_374 = arith.constant 0 : i32
      %dma_wait3A_375 = tpu.memref_slice %arg10[%dma_wait3A_373, %dma_wait3A_374] : memref<2x64xi32, #tpu.memory_space<vmem>> -> memref<1x64xi32, #tpu.memory_space<vmem>>
      %dma_wait3A_376 = tpu.memref_squeeze %dma_wait3A_375 : memref<1x64xi32, #tpu.memory_space<vmem>> -> memref<64xi32, #tpu.memory_space<vmem>>
      %dma_wait3A_377 = arith.constant 0 : i32
      %dma_wait3A_378 = arith.constant 0 : i32
      %dma_wait3A_379 = tpu.memref_slice %arg2[%dma_wait3A_377, %dma_wait3A_378] : memref<10000x128xf32, #tpu.memory_space<hbm>> -> memref<10000x128xf32, #tpu.memory_space<hbm>>
      tpu.wait_indirect_dma semaphore(%arg28 : memref<!tpu.dma_semaphore, #tpu.memory_space<semaphore_mem>>) src(%dma_wait3A_379 : memref<10000x128xf32, #tpu.memory_space<hbm>>) dst(%arg15 : memref<64x128xf32, #tpu.memory_space<vmem>>)
      %dma_start3A_380 = arith.constant 1 : i32
      %dma_start3A_381 = arith.constant 0 : i32
      %dma_start3A_382 = tpu.memref_slice %arg10[%dma_start3A_380, %dma_start3A_381] : memref<2x64xi32, #tpu.memory_space<vmem>> -> memref<1x64xi32, #tpu.memory_space<vmem>>
      %dma_start3A_383 = tpu.memref_squeeze %dma_start3A_382 : memref<1x64xi32, #tpu.memory_space<vmem>> -> memref<64xi32, #tpu.memory_space<vmem>>
      %dma_start3A_384 = arith.constant 0 : i32
      %dma_start3A_385 = arith.constant 0 : i32
      %dma_start3A_386 = tpu.memref_slice %arg19[%dma_start3A_384, %dma_start3A_385] : memref<10240x128xf32, #tpu.memory_space<vmem_shared>> -> memref<10240x128xf32, #tpu.memory_space<vmem_shared>>
      tpu.enqueue_indirect_dma source(%arg15 : memref<64x128xf32, #tpu.memory_space<vmem>>) target(%dma_start3A_386 : memref<10240x128xf32, #tpu.memory_space<vmem_shared>>) offsets(%dma_start3A_383 : memref<64xi32, #tpu.memory_space<vmem>>) semaphore(%arg33 : memref<!tpu.dma_semaphore, #tpu.memory_space<semaphore_mem>>) {add = true}
      %dma_start3A_387 = arith.constant 1 : i32
      %dma_start3A_388 = arith.constant 0 : i32
      %dma_start3A_389 = tpu.memref_slice %arg10[%dma_start3A_387, %dma_start3A_388] : memref<2x64xi32, #tpu.memory_space<vmem>> -> memref<1x64xi32, #tpu.memory_space<vmem>>
      %dma_start3A_390 = tpu.memref_squeeze %dma_start3A_389 : memref<1x64xi32, #tpu.memory_space<vmem>> -> memref<64xi32, #tpu.memory_space<vmem>>
      %dma_start3A_391 = arith.constant 0 : i32
      %dma_start3A_392 = tpu.memref_slice %arg20[%dma_start3A_391] : memref<10240xf32, #tpu.memory_space<vmem_shared>> -> memref<10240xf32, #tpu.memory_space<vmem_shared>>
      tpu.enqueue_indirect_dma source(%arg18 : memref<64xf32, #tpu.memory_space<vmem>>) target(%dma_start3A_392 : memref<10240xf32, #tpu.memory_space<vmem_shared>>) offsets(%dma_start3A_390 : memref<64xi32, #tpu.memory_space<vmem>>) semaphore(%arg38 : memref<!tpu.dma_semaphore, #tpu.memory_space<semaphore_mem>>) {add = true}
      %dma_wait3A_393 = arith.constant 0 : i32
      %dma_wait3A_394 = arith.constant 0 : i32
      %dma_wait3A_395 = tpu.memref_slice %arg11[%dma_wait3A_393, %dma_wait3A_394] : memref<2x64xi32, #tpu.memory_space<vmem>> -> memref<1x64xi32, #tpu.memory_space<vmem>>
      %dma_wait3A_396 = tpu.memref_squeeze %dma_wait3A_395 : memref<1x64xi32, #tpu.memory_space<vmem>> -> memref<64xi32, #tpu.memory_space<vmem>>
      %dma_wait3A_397 = arith.constant 0 : i32
      %dma_wait3A_398 = arith.constant 0 : i32
      %dma_wait3A_399 = tpu.memref_slice %arg2[%dma_wait3A_397, %dma_wait3A_398] : memref<10000x128xf32, #tpu.memory_space<hbm>> -> memref<10000x128xf32, #tpu.memory_space<hbm>>
      tpu.wait_indirect_dma semaphore(%arg29 : memref<!tpu.dma_semaphore, #tpu.memory_space<semaphore_mem>>) src(%dma_wait3A_399 : memref<10000x128xf32, #tpu.memory_space<hbm>>) dst(%arg16 : memref<64x128xf32, #tpu.memory_space<vmem>>)
      %dma_start3A_400 = arith.constant 1 : i32
      %dma_start3A_401 = arith.constant 0 : i32
      %dma_start3A_402 = tpu.memref_slice %arg11[%dma_start3A_400, %dma_start3A_401] : memref<2x64xi32, #tpu.memory_space<vmem>> -> memref<1x64xi32, #tpu.memory_space<vmem>>
      %dma_start3A_403 = tpu.memref_squeeze %dma_start3A_402 : memref<1x64xi32, #tpu.memory_space<vmem>> -> memref<64xi32, #tpu.memory_space<vmem>>
      %dma_start3A_404 = arith.constant 0 : i32
      %dma_start3A_405 = arith.constant 0 : i32
      %dma_start3A_406 = tpu.memref_slice %arg19[%dma_start3A_404, %dma_start3A_405] : memref<10240x128xf32, #tpu.memory_space<vmem_shared>> -> memref<10240x128xf32, #tpu.memory_space<vmem_shared>>
      tpu.enqueue_indirect_dma source(%arg16 : memref<64x128xf32, #tpu.memory_space<vmem>>) target(%dma_start3A_406 : memref<10240x128xf32, #tpu.memory_space<vmem_shared>>) offsets(%dma_start3A_403 : memref<64xi32, #tpu.memory_space<vmem>>) semaphore(%arg34 : memref<!tpu.dma_semaphore, #tpu.memory_space<semaphore_mem>>) {add = true}
      %dma_start3A_407 = arith.constant 1 : i32
      %dma_start3A_408 = arith.constant 0 : i32
      %dma_start3A_409 = tpu.memref_slice %arg11[%dma_start3A_407, %dma_start3A_408] : memref<2x64xi32, #tpu.memory_space<vmem>> -> memref<1x64xi32, #tpu.memory_space<vmem>>
      %dma_start3A_410 = tpu.memref_squeeze %dma_start3A_409 : memref<1x64xi32, #tpu.memory_space<vmem>> -> memref<64xi32, #tpu.memory_space<vmem>>
      %dma_start3A_411 = arith.constant 0 : i32
      %dma_start3A_412 = tpu.memref_slice %arg20[%dma_start3A_411] : memref<10240xf32, #tpu.memory_space<vmem_shared>> -> memref<10240xf32, #tpu.memory_space<vmem_shared>>
      tpu.enqueue_indirect_dma source(%arg18 : memref<64xf32, #tpu.memory_space<vmem>>) target(%dma_start3A_412 : memref<10240xf32, #tpu.memory_space<vmem_shared>>) offsets(%dma_start3A_410 : memref<64xi32, #tpu.memory_space<vmem>>) semaphore(%arg39 : memref<!tpu.dma_semaphore, #tpu.memory_space<semaphore_mem>>) {add = true}
      %dma_wait3A_413 = arith.constant 0 : i32
      %dma_wait3A_414 = arith.constant 0 : i32
      %dma_wait3A_415 = tpu.memref_slice %arg12[%dma_wait3A_413, %dma_wait3A_414] : memref<2x64xi32, #tpu.memory_space<vmem>> -> memref<1x64xi32, #tpu.memory_space<vmem>>
      %dma_wait3A_416 = tpu.memref_squeeze %dma_wait3A_415 : memref<1x64xi32, #tpu.memory_space<vmem>> -> memref<64xi32, #tpu.memory_space<vmem>>
      %dma_wait3A_417 = arith.constant 0 : i32
      %dma_wait3A_418 = arith.constant 0 : i32
      %dma_wait3A_419 = tpu.memref_slice %arg2[%dma_wait3A_417, %dma_wait3A_418] : memref<10000x128xf32, #tpu.memory_space<hbm>> -> memref<10000x128xf32, #tpu.memory_space<hbm>>
      tpu.wait_indirect_dma semaphore(%arg30 : memref<!tpu.dma_semaphore, #tpu.memory_space<semaphore_mem>>) src(%dma_wait3A_419 : memref<10000x128xf32, #tpu.memory_space<hbm>>) dst(%arg17 : memref<64x128xf32, #tpu.memory_space<vmem>>)
      %dma_start3A_420 = arith.constant 1 : i32
      %dma_start3A_421 = arith.constant 0 : i32
      %dma_start3A_422 = tpu.memref_slice %arg12[%dma_start3A_420, %dma_start3A_421] : memref<2x64xi32, #tpu.memory_space<vmem>> -> memref<1x64xi32, #tpu.memory_space<vmem>>
      %dma_start3A_423 = tpu.memref_squeeze %dma_start3A_422 : memref<1x64xi32, #tpu.memory_space<vmem>> -> memref<64xi32, #tpu.memory_space<vmem>>
      %dma_start3A_424 = arith.constant 0 : i32
      %dma_start3A_425 = arith.constant 0 : i32
      %dma_start3A_426 = tpu.memref_slice %arg19[%dma_start3A_424, %dma_start3A_425] : memref<10240x128xf32, #tpu.memory_space<vmem_shared>> -> memref<10240x128xf32, #tpu.memory_space<vmem_shared>>
      tpu.enqueue_indirect_dma source(%arg17 : memref<64x128xf32, #tpu.memory_space<vmem>>) target(%dma_start3A_426 : memref<10240x128xf32, #tpu.memory_space<vmem_shared>>) offsets(%dma_start3A_423 : memref<64xi32, #tpu.memory_space<vmem>>) semaphore(%arg35 : memref<!tpu.dma_semaphore, #tpu.memory_space<semaphore_mem>>) {add = true}
      %dma_start3A_427 = arith.constant 1 : i32
      %dma_start3A_428 = arith.constant 0 : i32
      %dma_start3A_429 = tpu.memref_slice %arg12[%dma_start3A_427, %dma_start3A_428] : memref<2x64xi32, #tpu.memory_space<vmem>> -> memref<1x64xi32, #tpu.memory_space<vmem>>
      %dma_start3A_430 = tpu.memref_squeeze %dma_start3A_429 : memref<1x64xi32, #tpu.memory_space<vmem>> -> memref<64xi32, #tpu.memory_space<vmem>>
      %dma_start3A_431 = arith.constant 0 : i32
      %dma_start3A_432 = tpu.memref_slice %arg20[%dma_start3A_431] : memref<10240xf32, #tpu.memory_space<vmem_shared>> -> memref<10240xf32, #tpu.memory_space<vmem_shared>>
      tpu.enqueue_indirect_dma source(%arg18 : memref<64xf32, #tpu.memory_space<vmem>>) target(%dma_start3A_432 : memref<10240xf32, #tpu.memory_space<vmem_shared>>) offsets(%dma_start3A_430 : memref<64xi32, #tpu.memory_space<vmem>>) semaphore(%arg40 : memref<!tpu.dma_semaphore, #tpu.memory_space<semaphore_mem>>) {add = true}
      %dma_wait3A_433 = arith.constant 1 : i32
      %dma_wait3A_434 = arith.constant 0 : i32
      %dma_wait3A_435 = tpu.memref_slice %arg8[%dma_wait3A_433, %dma_wait3A_434] : memref<2x64xi32, #tpu.memory_space<vmem>> -> memref<1x64xi32, #tpu.memory_space<vmem>>
      %dma_wait3A_436 = tpu.memref_squeeze %dma_wait3A_435 : memref<1x64xi32, #tpu.memory_space<vmem>> -> memref<64xi32, #tpu.memory_space<vmem>>
      %dma_wait3A_437 = arith.constant 0 : i32
      %dma_wait3A_438 = arith.constant 0 : i32
      %dma_wait3A_439 = tpu.memref_slice %arg19[%dma_wait3A_437, %dma_wait3A_438] : memref<10240x128xf32, #tpu.memory_space<vmem_shared>> -> memref<10240x128xf32, #tpu.memory_space<vmem_shared>>
      tpu.wait_indirect_dma semaphore(%arg31 : memref<!tpu.dma_semaphore, #tpu.memory_space<semaphore_mem>>) src(%arg13 : memref<64x128xf32, #tpu.memory_space<vmem>>) dst(%dma_wait3A_439 : memref<10240x128xf32, #tpu.memory_space<vmem_shared>>)
      %dma_wait3A_440 = arith.constant 1 : i32
      %dma_wait3A_441 = arith.constant 0 : i32
      %dma_wait3A_442 = tpu.memref_slice %arg8[%dma_wait3A_440, %dma_wait3A_441] : memref<2x64xi32, #tpu.memory_space<vmem>> -> memref<1x64xi32, #tpu.memory_space<vmem>>
      %dma_wait3A_443 = tpu.memref_squeeze %dma_wait3A_442 : memref<1x64xi32, #tpu.memory_space<vmem>> -> memref<64xi32, #tpu.memory_space<vmem>>
      %dma_wait3A_444 = arith.constant 0 : i32
      %dma_wait3A_445 = tpu.memref_slice %arg20[%dma_wait3A_444] : memref<10240xf32, #tpu.memory_space<vmem_shared>> -> memref<10240xf32, #tpu.memory_space<vmem_shared>>
      tpu.wait_indirect_dma semaphore(%arg36 : memref<!tpu.dma_semaphore, #tpu.memory_space<semaphore_mem>>) src(%arg18 : memref<64xf32, #tpu.memory_space<vmem>>) dst(%dma_wait3A_445 : memref<10240xf32, #tpu.memory_space<vmem_shared>>)
      %add3A_446 = arith.constant 1 : i32
      %add3A_447 = arith.addi %scan3A_332, %add3A_446 : i32
      %mul3A_448 = arith.constant 5 : i32
      %mul3A_449 = arith.muli %add3A_447, %mul3A_448 : i32
      %add3A_450 = arith.constant 0 : i32
      %add3A_451 = arith.addi %mul3A_449, %add3A_450 : i32
      %dma_start3A_452 = arith.constant 0 : i32
      %dma_start3A_453 = arith.constant 0 : i32
      %dma_start3A_454 = tpu.memref_slice %arg3[%add3A, %add3A_451, %dma_start3A_452, %dma_start3A_453] : memref<32x160x2x64xi32, #tpu.memory_space<hbm>> -> memref<1x1x2x64xi32, #tpu.memory_space<hbm>>
      %dma_start3A_455 = tpu.memref_squeeze %dma_start3A_454 : memref<1x1x2x64xi32, #tpu.memory_space<hbm>> -> memref<2x64xi32, #tpu.memory_space<hbm>>
      %dma_start3A_456 = arith.constant 0 : i32
      %dma_start3A_457 = arith.constant 0 : i32
      %dma_start3A_458 = tpu.memref_slice %arg3[%add3A, %add3A_451, %dma_start3A_456, %dma_start3A_457] : memref<32x160x2x64xi32, #tpu.memory_space<hbm>> -> memref<1x1x2x64xi32, #tpu.memory_space<hbm>>
      %dma_start3A_459 = tpu.memref_squeeze %dma_start3A_458 : memref<1x1x2x64xi32, #tpu.memory_space<hbm>> -> memref<2x64xi32, #tpu.memory_space<hbm>>
      tpu.enqueue_dma source(%dma_start3A_459 : memref<2x64xi32, #tpu.memory_space<hbm>>) target(%arg8 : memref<2x64xi32, #tpu.memory_space<vmem>>) target_semaphore(%arg21 : memref<!tpu.dma_semaphore, #tpu.memory_space<semaphore_mem>>)
      %dma_wait3A_460 = arith.constant 1 : i32
      %dma_wait3A_461 = arith.constant 0 : i32
      %dma_wait3A_462 = tpu.memref_slice %arg9[%dma_wait3A_460, %dma_wait3A_461] : memref<2x64xi32, #tpu.memory_space<vmem>> -> memref<1x64xi32, #tpu.memory_space<vmem>>
      %dma_wait3A_463 = tpu.memref_squeeze %dma_wait3A_462 : memref<1x64xi32, #tpu.memory_space<vmem>> -> memref<64xi32, #tpu.memory_space<vmem>>
      %dma_wait3A_464 = arith.constant 0 : i32
      %dma_wait3A_465 = arith.constant 0 : i32
      %dma_wait3A_466 = tpu.memref_slice %arg19[%dma_wait3A_464, %dma_wait3A_465] : memref<10240x128xf32, #tpu.memory_space<vmem_shared>> -> memref<10240x128xf32, #tpu.memory_space<vmem_shared>>
      tpu.wait_indirect_dma semaphore(%arg32 : memref<!tpu.dma_semaphore, #tpu.memory_space<semaphore_mem>>) src(%arg14 : memref<64x128xf32, #tpu.memory_space<vmem>>) dst(%dma_wait3A_466 : memref<10240x128xf32, #tpu.memory_space<vmem_shared>>)
      %dma_wait3A_467 = arith.constant 1 : i32
      %dma_wait3A_468 = arith.constant 0 : i32
      %dma_wait3A_469 = tpu.memref_slice %arg9[%dma_wait3A_467, %dma_wait3A_468] : memref<2x64xi32, #tpu.memory_space<vmem>> -> memref<1x64xi32, #tpu.memory_space<vmem>>
      %dma_wait3A_470 = tpu.memref_squeeze %dma_wait3A_469 : memref<1x64xi32, #tpu.memory_space<vmem>> -> memref<64xi32, #tpu.memory_space<vmem>>
      %dma_wait3A_471 = arith.constant 0 : i32
      %dma_wait3A_472 = tpu.memref_slice %arg20[%dma_wait3A_471] : memref<10240xf32, #tpu.memory_space<vmem_shared>> -> memref<10240xf32, #tpu.memory_space<vmem_shared>>
      tpu.wait_indirect_dma semaphore(%arg37 : memref<!tpu.dma_semaphore, #tpu.memory_space<semaphore_mem>>) src(%arg18 : memref<64xf32, #tpu.memory_space<vmem>>) dst(%dma_wait3A_472 : memref<10240xf32, #tpu.memory_space<vmem_shared>>)
      %add3A_473 = arith.constant 1 : i32
      %add3A_474 = arith.addi %scan3A_332, %add3A_473 : i32
      %mul3A_475 = arith.constant 5 : i32
      %mul3A_476 = arith.muli %add3A_474, %mul3A_475 : i32
      %add3A_477 = arith.constant 1 : i32
      %add3A_478 = arith.addi %mul3A_476, %add3A_477 : i32
      %dma_start3A_479 = arith.constant 0 : i32
      %dma_start3A_480 = arith.constant 0 : i32
      %dma_start3A_481 = tpu.memref_slice %arg3[%add3A, %add3A_478, %dma_start3A_479, %dma_start3A_480] : memref<32x160x2x64xi32, #tpu.memory_space<hbm>> -> memref<1x1x2x64xi32, #tpu.memory_space<hbm>>
      %dma_start3A_482 = tpu.memref_squeeze %dma_start3A_481 : memref<1x1x2x64xi32, #tpu.memory_space<hbm>> -> memref<2x64xi32, #tpu.memory_space<hbm>>
      %dma_start3A_483 = arith.constant 0 : i32
      %dma_start3A_484 = arith.constant 0 : i32
      %dma_start3A_485 = tpu.memref_slice %arg3[%add3A, %add3A_478, %dma_start3A_483, %dma_start3A_484] : memref<32x160x2x64xi32, #tpu.memory_space<hbm>> -> memref<1x1x2x64xi32, #tpu.memory_space<hbm>>
      %dma_start3A_486 = tpu.memref_squeeze %dma_start3A_485 : memref<1x1x2x64xi32, #tpu.memory_space<hbm>> -> memref<2x64xi32, #tpu.memory_space<hbm>>
      tpu.enqueue_dma source(%dma_start3A_486 : memref<2x64xi32, #tpu.memory_space<hbm>>) target(%arg9 : memref<2x64xi32, #tpu.memory_space<vmem>>) target_semaphore(%arg22 : memref<!tpu.dma_semaphore, #tpu.memory_space<semaphore_mem>>)
      %dma_wait3A_487 = arith.constant 1 : i32
      %dma_wait3A_488 = arith.constant 0 : i32
      %dma_wait3A_489 = tpu.memref_slice %arg10[%dma_wait3A_487, %dma_wait3A_488] : memref<2x64xi32, #tpu.memory_space<vmem>> -> memref<1x64xi32, #tpu.memory_space<vmem>>
      %dma_wait3A_490 = tpu.memref_squeeze %dma_wait3A_489 : memref<1x64xi32, #tpu.memory_space<vmem>> -> memref<64xi32, #tpu.memory_space<vmem>>
      %dma_wait3A_491 = arith.constant 0 : i32
      %dma_wait3A_492 = arith.constant 0 : i32
      %dma_wait3A_493 = tpu.memref_slice %arg19[%dma_wait3A_491, %dma_wait3A_492] : memref<10240x128xf32, #tpu.memory_space<vmem_shared>> -> memref<10240x128xf32, #tpu.memory_space<vmem_shared>>
      tpu.wait_indirect_dma semaphore(%arg33 : memref<!tpu.dma_semaphore, #tpu.memory_space<semaphore_mem>>) src(%arg15 : memref<64x128xf32, #tpu.memory_space<vmem>>) dst(%dma_wait3A_493 : memref<10240x128xf32, #tpu.memory_space<vmem_shared>>)
      %dma_wait3A_494 = arith.constant 1 : i32
      %dma_wait3A_495 = arith.constant 0 : i32
      %dma_wait3A_496 = tpu.memref_slice %arg10[%dma_wait3A_494, %dma_wait3A_495] : memref<2x64xi32, #tpu.memory_space<vmem>> -> memref<1x64xi32, #tpu.memory_space<vmem>>
      %dma_wait3A_497 = tpu.memref_squeeze %dma_wait3A_496 : memref<1x64xi32, #tpu.memory_space<vmem>> -> memref<64xi32, #tpu.memory_space<vmem>>
      %dma_wait3A_498 = arith.constant 0 : i32
      %dma_wait3A_499 = tpu.memref_slice %arg20[%dma_wait3A_498] : memref<10240xf32, #tpu.memory_space<vmem_shared>> -> memref<10240xf32, #tpu.memory_space<vmem_shared>>
      tpu.wait_indirect_dma semaphore(%arg38 : memref<!tpu.dma_semaphore, #tpu.memory_space<semaphore_mem>>) src(%arg18 : memref<64xf32, #tpu.memory_space<vmem>>) dst(%dma_wait3A_499 : memref<10240xf32, #tpu.memory_space<vmem_shared>>)
      %add3A_500 = arith.constant 1 : i32
      %add3A_501 = arith.addi %scan3A_332, %add3A_500 : i32
      %mul3A_502 = arith.constant 5 : i32
      %mul3A_503 = arith.muli %add3A_501, %mul3A_502 : i32
      %add3A_504 = arith.constant 2 : i32
      %add3A_505 = arith.addi %mul3A_503, %add3A_504 : i32
      %dma_start3A_506 = arith.constant 0 : i32
      %dma_start3A_507 = arith.constant 0 : i32
      %dma_start3A_508 = tpu.memref_slice %arg3[%add3A, %add3A_505, %dma_start3A_506, %dma_start3A_507] : memref<32x160x2x64xi32, #tpu.memory_space<hbm>> -> memref<1x1x2x64xi32, #tpu.memory_space<hbm>>
      %dma_start3A_509 = tpu.memref_squeeze %dma_start3A_508 : memref<1x1x2x64xi32, #tpu.memory_space<hbm>> -> memref<2x64xi32, #tpu.memory_space<hbm>>
      %dma_start3A_510 = arith.constant 0 : i32
      %dma_start3A_511 = arith.constant 0 : i32
      %dma_start3A_512 = tpu.memref_slice %arg3[%add3A, %add3A_505, %dma_start3A_510, %dma_start3A_511] : memref<32x160x2x64xi32, #tpu.memory_space<hbm>> -> memref<1x1x2x64xi32, #tpu.memory_space<hbm>>
      %dma_start3A_513 = tpu.memref_squeeze %dma_start3A_512 : memref<1x1x2x64xi32, #tpu.memory_space<hbm>> -> memref<2x64xi32, #tpu.memory_space<hbm>>
      tpu.enqueue_dma source(%dma_start3A_513 : memref<2x64xi32, #tpu.memory_space<hbm>>) target(%arg10 : memref<2x64xi32, #tpu.memory_space<vmem>>) target_semaphore(%arg23 : memref<!tpu.dma_semaphore, #tpu.memory_space<semaphore_mem>>)
      %dma_wait3A_514 = arith.constant 1 : i32
      %dma_wait3A_515 = arith.constant 0 : i32
      %dma_wait3A_516 = tpu.memref_slice %arg11[%dma_wait3A_514, %dma_wait3A_515] : memref<2x64xi32, #tpu.memory_space<vmem>> -> memref<1x64xi32, #tpu.memory_space<vmem>>
      %dma_wait3A_517 = tpu.memref_squeeze %dma_wait3A_516 : memref<1x64xi32, #tpu.memory_space<vmem>> -> memref<64xi32, #tpu.memory_space<vmem>>
      %dma_wait3A_518 = arith.constant 0 : i32
      %dma_wait3A_519 = arith.constant 0 : i32
      %dma_wait3A_520 = tpu.memref_slice %arg19[%dma_wait3A_518, %dma_wait3A_519] : memref<10240x128xf32, #tpu.memory_space<vmem_shared>> -> memref<10240x128xf32, #tpu.memory_space<vmem_shared>>
      tpu.wait_indirect_dma semaphore(%arg34 : memref<!tpu.dma_semaphore, #tpu.memory_space<semaphore_mem>>) src(%arg16 : memref<64x128xf32, #tpu.memory_space<vmem>>) dst(%dma_wait3A_520 : memref<10240x128xf32, #tpu.memory_space<vmem_shared>>)
      %dma_wait3A_521 = arith.constant 1 : i32
      %dma_wait3A_522 = arith.constant 0 : i32
      %dma_wait3A_523 = tpu.memref_slice %arg11[%dma_wait3A_521, %dma_wait3A_522] : memref<2x64xi32, #tpu.memory_space<vmem>> -> memref<1x64xi32, #tpu.memory_space<vmem>>
      %dma_wait3A_524 = tpu.memref_squeeze %dma_wait3A_523 : memref<1x64xi32, #tpu.memory_space<vmem>> -> memref<64xi32, #tpu.memory_space<vmem>>
      %dma_wait3A_525 = arith.constant 0 : i32
      %dma_wait3A_526 = tpu.memref_slice %arg20[%dma_wait3A_525] : memref<10240xf32, #tpu.memory_space<vmem_shared>> -> memref<10240xf32, #tpu.memory_space<vmem_shared>>
      tpu.wait_indirect_dma semaphore(%arg39 : memref<!tpu.dma_semaphore, #tpu.memory_space<semaphore_mem>>) src(%arg18 : memref<64xf32, #tpu.memory_space<vmem>>) dst(%dma_wait3A_526 : memref<10240xf32, #tpu.memory_space<vmem_shared>>)
      %add3A_527 = arith.constant 1 : i32
      %add3A_528 = arith.addi %scan3A_332, %add3A_527 : i32
      %mul3A_529 = arith.constant 5 : i32
      %mul3A_530 = arith.muli %add3A_528, %mul3A_529 : i32
      %add3A_531 = arith.constant 3 : i32
      %add3A_532 = arith.addi %mul3A_530, %add3A_531 : i32
      %dma_start3A_533 = arith.constant 0 : i32
      %dma_start3A_534 = arith.constant 0 : i32
      %dma_start3A_535 = tpu.memref_slice %arg3[%add3A, %add3A_532, %dma_start3A_533, %dma_start3A_534] : memref<32x160x2x64xi32, #tpu.memory_space<hbm>> -> memref<1x1x2x64xi32, #tpu.memory_space<hbm>>
      %dma_start3A_536 = tpu.memref_squeeze %dma_start3A_535 : memref<1x1x2x64xi32, #tpu.memory_space<hbm>> -> memref<2x64xi32, #tpu.memory_space<hbm>>
      %dma_start3A_537 = arith.constant 0 : i32
      %dma_start3A_538 = arith.constant 0 : i32
      %dma_start3A_539 = tpu.memref_slice %arg3[%add3A, %add3A_532, %dma_start3A_537, %dma_start3A_538] : memref<32x160x2x64xi32, #tpu.memory_space<hbm>> -> memref<1x1x2x64xi32, #tpu.memory_space<hbm>>
      %dma_start3A_540 = tpu.memref_squeeze %dma_start3A_539 : memref<1x1x2x64xi32, #tpu.memory_space<hbm>> -> memref<2x64xi32, #tpu.memory_space<hbm>>
      tpu.enqueue_dma source(%dma_start3A_540 : memref<2x64xi32, #tpu.memory_space<hbm>>) target(%arg11 : memref<2x64xi32, #tpu.memory_space<vmem>>) target_semaphore(%arg24 : memref<!tpu.dma_semaphore, #tpu.memory_space<semaphore_mem>>)
      %dma_wait3A_541 = arith.constant 1 : i32
      %dma_wait3A_542 = arith.constant 0 : i32
      %dma_wait3A_543 = tpu.memref_slice %arg12[%dma_wait3A_541, %dma_wait3A_542] : memref<2x64xi32, #tpu.memory_space<vmem>> -> memref<1x64xi32, #tpu.memory_space<vmem>>
      %dma_wait3A_544 = tpu.memref_squeeze %dma_wait3A_543 : memref<1x64xi32, #tpu.memory_space<vmem>> -> memref<64xi32, #tpu.memory_space<vmem>>
      %dma_wait3A_545 = arith.constant 0 : i32
      %dma_wait3A_546 = arith.constant 0 : i32
      %dma_wait3A_547 = tpu.memref_slice %arg19[%dma_wait3A_545, %dma_wait3A_546] : memref<10240x128xf32, #tpu.memory_space<vmem_shared>> -> memref<10240x128xf32, #tpu.memory_space<vmem_shared>>
      tpu.wait_indirect_dma semaphore(%arg35 : memref<!tpu.dma_semaphore, #tpu.memory_space<semaphore_mem>>) src(%arg17 : memref<64x128xf32, #tpu.memory_space<vmem>>) dst(%dma_wait3A_547 : memref<10240x128xf32, #tpu.memory_space<vmem_shared>>)
      %dma_wait3A_548 = arith.constant 1 : i32
      %dma_wait3A_549 = arith.constant 0 : i32
      %dma_wait3A_550 = tpu.memref_slice %arg12[%dma_wait3A_548, %dma_wait3A_549] : memref<2x64xi32, #tpu.memory_space<vmem>> -> memref<1x64xi32, #tpu.memory_space<vmem>>
      %dma_wait3A_551 = tpu.memref_squeeze %dma_wait3A_550 : memref<1x64xi32, #tpu.memory_space<vmem>> -> memref<64xi32, #tpu.memory_space<vmem>>
      %dma_wait3A_552 = arith.constant 0 : i32
      %dma_wait3A_553 = tpu.memref_slice %arg20[%dma_wait3A_552] : memref<10240xf32, #tpu.memory_space<vmem_shared>> -> memref<10240xf32, #tpu.memory_space<vmem_shared>>
      tpu.wait_indirect_dma semaphore(%arg40 : memref<!tpu.dma_semaphore, #tpu.memory_space<semaphore_mem>>) src(%arg18 : memref<64xf32, #tpu.memory_space<vmem>>) dst(%dma_wait3A_553 : memref<10240xf32, #tpu.memory_space<vmem_shared>>)
      %add3A_554 = arith.constant 1 : i32
      %add3A_555 = arith.addi %scan3A_332, %add3A_554 : i32
      %mul3A_556 = arith.constant 5 : i32
      %mul3A_557 = arith.muli %add3A_555, %mul3A_556 : i32
      %add3A_558 = arith.constant 4 : i32
      %add3A_559 = arith.addi %mul3A_557, %add3A_558 : i32
      %dma_start3A_560 = arith.constant 0 : i32
      %dma_start3A_561 = arith.constant 0 : i32
      %dma_start3A_562 = tpu.memref_slice %arg3[%add3A, %add3A_559, %dma_start3A_560, %dma_start3A_561] : memref<32x160x2x64xi32, #tpu.memory_space<hbm>> -> memref<1x1x2x64xi32, #tpu.memory_space<hbm>>
      %dma_start3A_563 = tpu.memref_squeeze %dma_start3A_562 : memref<1x1x2x64xi32, #tpu.memory_space<hbm>> -> memref<2x64xi32, #tpu.memory_space<hbm>>
      %dma_start3A_564 = arith.constant 0 : i32
      %dma_start3A_565 = arith.constant 0 : i32
      %dma_start3A_566 = tpu.memref_slice %arg3[%add3A, %add3A_559, %dma_start3A_564, %dma_start3A_565] : memref<32x160x2x64xi32, #tpu.memory_space<hbm>> -> memref<1x1x2x64xi32, #tpu.memory_space<hbm>>
      %dma_start3A_567 = tpu.memref_squeeze %dma_start3A_566 : memref<1x1x2x64xi32, #tpu.memory_space<hbm>> -> memref<2x64xi32, #tpu.memory_space<hbm>>
      tpu.enqueue_dma source(%dma_start3A_567 : memref<2x64xi32, #tpu.memory_space<hbm>>) target(%arg12 : memref<2x64xi32, #tpu.memory_space<vmem>>) target_semaphore(%arg25 : memref<!tpu.dma_semaphore, #tpu.memory_space<semaphore_mem>>)
      %add3A_568 = arith.constant 1 : i32
      %add3A_569 = arith.addi %scan3A_332, %add3A_568 : i32
      %mul3A_570 = arith.constant 5 : i32
      %mul3A_571 = arith.muli %add3A_569, %mul3A_570 : i32
      %add3A_572 = arith.constant 0 : i32
      %add3A_573 = arith.addi %mul3A_571, %add3A_572 : i32
      %dma_wait3A_574 = arith.constant 0 : i32
      %dma_wait3A_575 = arith.constant 0 : i32
      %dma_wait3A_576 = tpu.memref_slice %arg3[%add3A, %add3A_573, %dma_wait3A_574, %dma_wait3A_575] : memref<32x160x2x64xi32, #tpu.memory_space<hbm>> -> memref<1x1x2x64xi32, #tpu.memory_space<hbm>>
      %dma_wait3A_577 = tpu.memref_squeeze %dma_wait3A_576 : memref<1x1x2x64xi32, #tpu.memory_space<hbm>> -> memref<2x64xi32, #tpu.memory_space<hbm>>
      %dma_wait3A_578 = arith.constant 0 : i32
      %dma_wait3A_579 = arith.constant 0 : i32
      %dma_wait3A_580 = tpu.memref_slice %arg3[%add3A, %add3A_573, %dma_wait3A_578, %dma_wait3A_579] : memref<32x160x2x64xi32, #tpu.memory_space<hbm>> -> memref<1x1x2x64xi32, #tpu.memory_space<hbm>>
      %dma_wait3A_581 = tpu.memref_squeeze %dma_wait3A_580 : memref<1x1x2x64xi32, #tpu.memory_space<hbm>> -> memref<2x64xi32, #tpu.memory_space<hbm>>
      tpu.wait_dma2 semaphore(%arg21 : memref<!tpu.dma_semaphore, #tpu.memory_space<semaphore_mem>>) src(%dma_wait3A_581 : memref<2x64xi32, #tpu.memory_space<hbm>>) dst(%arg8 : memref<2x64xi32, #tpu.memory_space<vmem>>)
      %dma_start3A_582 = arith.constant 0 : i32
      %dma_start3A_583 = arith.constant 0 : i32
      %dma_start3A_584 = tpu.memref_slice %arg8[%dma_start3A_582, %dma_start3A_583] : memref<2x64xi32, #tpu.memory_space<vmem>> -> memref<1x64xi32, #tpu.memory_space<vmem>>
      %dma_start3A_585 = tpu.memref_squeeze %dma_start3A_584 : memref<1x64xi32, #tpu.memory_space<vmem>> -> memref<64xi32, #tpu.memory_space<vmem>>
      %dma_start3A_586 = arith.constant 0 : i32
      %dma_start3A_587 = arith.constant 0 : i32
      %dma_start3A_588 = tpu.memref_slice %arg2[%dma_start3A_586, %dma_start3A_587] : memref<10000x128xf32, #tpu.memory_space<hbm>> -> memref<10000x128xf32, #tpu.memory_space<hbm>>
      tpu.enqueue_indirect_dma source(%dma_start3A_588 : memref<10000x128xf32, #tpu.memory_space<hbm>>) target(%arg13 : memref<64x128xf32, #tpu.memory_space<vmem>>) offsets(%dma_start3A_585 : memref<64xi32, #tpu.memory_space<vmem>>) semaphore(%arg26 : memref<!tpu.dma_semaphore, #tpu.memory_space<semaphore_mem>>)
      %add3A_589 = arith.constant 1 : i32
      %add3A_590 = arith.addi %scan3A_332, %add3A_589 : i32
      %mul3A_591 = arith.constant 5 : i32
      %mul3A_592 = arith.muli %add3A_590, %mul3A_591 : i32
      %add3A_593 = arith.constant 1 : i32
      %add3A_594 = arith.addi %mul3A_592, %add3A_593 : i32
      %dma_wait3A_595 = arith.constant 0 : i32
      %dma_wait3A_596 = arith.constant 0 : i32
      %dma_wait3A_597 = tpu.memref_slice %arg3[%add3A, %add3A_594, %dma_wait3A_595, %dma_wait3A_596] : memref<32x160x2x64xi32, #tpu.memory_space<hbm>> -> memref<1x1x2x64xi32, #tpu.memory_space<hbm>>
      %dma_wait3A_598 = tpu.memref_squeeze %dma_wait3A_597 : memref<1x1x2x64xi32, #tpu.memory_space<hbm>> -> memref<2x64xi32, #tpu.memory_space<hbm>>
      %dma_wait3A_599 = arith.constant 0 : i32
      %dma_wait3A_600 = arith.constant 0 : i32
      %dma_wait3A_601 = tpu.memref_slice %arg3[%add3A, %add3A_594, %dma_wait3A_599, %dma_wait3A_600] : memref<32x160x2x64xi32, #tpu.memory_space<hbm>> -> memref<1x1x2x64xi32, #tpu.memory_space<hbm>>
      %dma_wait3A_602 = tpu.memref_squeeze %dma_wait3A_601 : memref<1x1x2x64xi32, #tpu.memory_space<hbm>> -> memref<2x64xi32, #tpu.memory_space<hbm>>
      tpu.wait_dma2 semaphore(%arg22 : memref<!tpu.dma_semaphore, #tpu.memory_space<semaphore_mem>>) src(%dma_wait3A_602 : memref<2x64xi32, #tpu.memory_space<hbm>>) dst(%arg9 : memref<2x64xi32, #tpu.memory_space<vmem>>)
      %dma_start3A_603 = arith.constant 0 : i32
      %dma_start3A_604 = arith.constant 0 : i32
      %dma_start3A_605 = tpu.memref_slice %arg9[%dma_start3A_603, %dma_start3A_604] : memref<2x64xi32, #tpu.memory_space<vmem>> -> memref<1x64xi32, #tpu.memory_space<vmem>>
      %dma_start3A_606 = tpu.memref_squeeze %dma_start3A_605 : memref<1x64xi32, #tpu.memory_space<vmem>> -> memref<64xi32, #tpu.memory_space<vmem>>
      %dma_start3A_607 = arith.constant 0 : i32
      %dma_start3A_608 = arith.constant 0 : i32
      %dma_start3A_609 = tpu.memref_slice %arg2[%dma_start3A_607, %dma_start3A_608] : memref<10000x128xf32, #tpu.memory_space<hbm>> -> memref<10000x128xf32, #tpu.memory_space<hbm>>
      tpu.enqueue_indirect_dma source(%dma_start3A_609 : memref<10000x128xf32, #tpu.memory_space<hbm>>) target(%arg14 : memref<64x128xf32, #tpu.memory_space<vmem>>) offsets(%dma_start3A_606 : memref<64xi32, #tpu.memory_space<vmem>>) semaphore(%arg27 : memref<!tpu.dma_semaphore, #tpu.memory_space<semaphore_mem>>)
      %add3A_610 = arith.constant 1 : i32
      %add3A_611 = arith.addi %scan3A_332, %add3A_610 : i32
      %mul3A_612 = arith.constant 5 : i32
      %mul3A_613 = arith.muli %add3A_611, %mul3A_612 : i32
      %add3A_614 = arith.constant 2 : i32
      %add3A_615 = arith.addi %mul3A_613, %add3A_614 : i32
      %dma_wait3A_616 = arith.constant 0 : i32
      %dma_wait3A_617 = arith.constant 0 : i32
      %dma_wait3A_618 = tpu.memref_slice %arg3[%add3A, %add3A_615, %dma_wait3A_616, %dma_wait3A_617] : memref<32x160x2x64xi32, #tpu.memory_space<hbm>> -> memref<1x1x2x64xi32, #tpu.memory_space<hbm>>
      %dma_wait3A_619 = tpu.memref_squeeze %dma_wait3A_618 : memref<1x1x2x64xi32, #tpu.memory_space<hbm>> -> memref<2x64xi32, #tpu.memory_space<hbm>>
      %dma_wait3A_620 = arith.constant 0 : i32
      %dma_wait3A_621 = arith.constant 0 : i32
      %dma_wait3A_622 = tpu.memref_slice %arg3[%add3A, %add3A_615, %dma_wait3A_620, %dma_wait3A_621] : memref<32x160x2x64xi32, #tpu.memory_space<hbm>> -> memref<1x1x2x64xi32, #tpu.memory_space<hbm>>
      %dma_wait3A_623 = tpu.memref_squeeze %dma_wait3A_622 : memref<1x1x2x64xi32, #tpu.memory_space<hbm>> -> memref<2x64xi32, #tpu.memory_space<hbm>>
      tpu.wait_dma2 semaphore(%arg23 : memref<!tpu.dma_semaphore, #tpu.memory_space<semaphore_mem>>) src(%dma_wait3A_623 : memref<2x64xi32, #tpu.memory_space<hbm>>) dst(%arg10 : memref<2x64xi32, #tpu.memory_space<vmem>>)
      %dma_start3A_624 = arith.constant 0 : i32
      %dma_start3A_625 = arith.constant 0 : i32
      %dma_start3A_626 = tpu.memref_slice %arg10[%dma_start3A_624, %dma_start3A_625] : memref<2x64xi32, #tpu.memory_space<vmem>> -> memref<1x64xi32, #tpu.memory_space<vmem>>
      %dma_start3A_627 = tpu.memref_squeeze %dma_start3A_626 : memref<1x64xi32, #tpu.memory_space<vmem>> -> memref<64xi32, #tpu.memory_space<vmem>>
      %dma_start3A_628 = arith.constant 0 : i32
      %dma_start3A_629 = arith.constant 0 : i32
      %dma_start3A_630 = tpu.memref_slice %arg2[%dma_start3A_628, %dma_start3A_629] : memref<10000x128xf32, #tpu.memory_space<hbm>> -> memref<10000x128xf32, #tpu.memory_space<hbm>>
      tpu.enqueue_indirect_dma source(%dma_start3A_630 : memref<10000x128xf32, #tpu.memory_space<hbm>>) target(%arg15 : memref<64x128xf32, #tpu.memory_space<vmem>>) offsets(%dma_start3A_627 : memref<64xi32, #tpu.memory_space<vmem>>) semaphore(%arg28 : memref<!tpu.dma_semaphore, #tpu.memory_space<semaphore_mem>>)
      %add3A_631 = arith.constant 1 : i32
      %add3A_632 = arith.addi %scan3A_332, %add3A_631 : i32
      %mul3A_633 = arith.constant 5 : i32
      %mul3A_634 = arith.muli %add3A_632, %mul3A_633 : i32
      %add3A_635 = arith.constant 3 : i32
      %add3A_636 = arith.addi %mul3A_634, %add3A_635 : i32
      %dma_wait3A_637 = arith.constant 0 : i32
      %dma_wait3A_638 = arith.constant 0 : i32
      %dma_wait3A_639 = tpu.memref_slice %arg3[%add3A, %add3A_636, %dma_wait3A_637, %dma_wait3A_638] : memref<32x160x2x64xi32, #tpu.memory_space<hbm>> -> memref<1x1x2x64xi32, #tpu.memory_space<hbm>>
      %dma_wait3A_640 = tpu.memref_squeeze %dma_wait3A_639 : memref<1x1x2x64xi32, #tpu.memory_space<hbm>> -> memref<2x64xi32, #tpu.memory_space<hbm>>
      %dma_wait3A_641 = arith.constant 0 : i32
      %dma_wait3A_642 = arith.constant 0 : i32
      %dma_wait3A_643 = tpu.memref_slice %arg3[%add3A, %add3A_636, %dma_wait3A_641, %dma_wait3A_642] : memref<32x160x2x64xi32, #tpu.memory_space<hbm>> -> memref<1x1x2x64xi32, #tpu.memory_space<hbm>>
      %dma_wait3A_644 = tpu.memref_squeeze %dma_wait3A_643 : memref<1x1x2x64xi32, #tpu.memory_space<hbm>> -> memref<2x64xi32, #tpu.memory_space<hbm>>
      tpu.wait_dma2 semaphore(%arg24 : memref<!tpu.dma_semaphore, #tpu.memory_space<semaphore_mem>>) src(%dma_wait3A_644 : memref<2x64xi32, #tpu.memory_space<hbm>>) dst(%arg11 : memref<2x64xi32, #tpu.memory_space<vmem>>)
      %dma_start3A_645 = arith.constant 0 : i32
      %dma_start3A_646 = arith.constant 0 : i32
      %dma_start3A_647 = tpu.memref_slice %arg11[%dma_start3A_645, %dma_start3A_646] : memref<2x64xi32, #tpu.memory_space<vmem>> -> memref<1x64xi32, #tpu.memory_space<vmem>>
      %dma_start3A_648 = tpu.memref_squeeze %dma_start3A_647 : memref<1x64xi32, #tpu.memory_space<vmem>> -> memref<64xi32, #tpu.memory_space<vmem>>
      %dma_start3A_649 = arith.constant 0 : i32
      %dma_start3A_650 = arith.constant 0 : i32
      %dma_start3A_651 = tpu.memref_slice %arg2[%dma_start3A_649, %dma_start3A_650] : memref<10000x128xf32, #tpu.memory_space<hbm>> -> memref<10000x128xf32, #tpu.memory_space<hbm>>
      tpu.enqueue_indirect_dma source(%dma_start3A_651 : memref<10000x128xf32, #tpu.memory_space<hbm>>) target(%arg16 : memref<64x128xf32, #tpu.memory_space<vmem>>) offsets(%dma_start3A_648 : memref<64xi32, #tpu.memory_space<vmem>>) semaphore(%arg29 : memref<!tpu.dma_semaphore, #tpu.memory_space<semaphore_mem>>)
      %add3A_652 = arith.constant 1 : i32
      %add3A_653 = arith.addi %scan3A_332, %add3A_652 : i32
      %mul3A_654 = arith.constant 5 : i32
      %mul3A_655 = arith.muli %add3A_653, %mul3A_654 : i32
      %add3A_656 = arith.constant 4 : i32
      %add3A_657 = arith.addi %mul3A_655, %add3A_656 : i32
      %dma_wait3A_658 = arith.constant 0 : i32
      %dma_wait3A_659 = arith.constant 0 : i32
      %dma_wait3A_660 = tpu.memref_slice %arg3[%add3A, %add3A_657, %dma_wait3A_658, %dma_wait3A_659] : memref<32x160x2x64xi32, #tpu.memory_space<hbm>> -> memref<1x1x2x64xi32, #tpu.memory_space<hbm>>
      %dma_wait3A_661 = tpu.memref_squeeze %dma_wait3A_660 : memref<1x1x2x64xi32, #tpu.memory_space<hbm>> -> memref<2x64xi32, #tpu.memory_space<hbm>>
      %dma_wait3A_662 = arith.constant 0 : i32
      %dma_wait3A_663 = arith.constant 0 : i32
      %dma_wait3A_664 = tpu.memref_slice %arg3[%add3A, %add3A_657, %dma_wait3A_662, %dma_wait3A_663] : memref<32x160x2x64xi32, #tpu.memory_space<hbm>> -> memref<1x1x2x64xi32, #tpu.memory_space<hbm>>
      %dma_wait3A_665 = tpu.memref_squeeze %dma_wait3A_664 : memref<1x1x2x64xi32, #tpu.memory_space<hbm>> -> memref<2x64xi32, #tpu.memory_space<hbm>>
      tpu.wait_dma2 semaphore(%arg25 : memref<!tpu.dma_semaphore, #tpu.memory_space<semaphore_mem>>) src(%dma_wait3A_665 : memref<2x64xi32, #tpu.memory_space<hbm>>) dst(%arg12 : memref<2x64xi32, #tpu.memory_space<vmem>>)
      %dma_start3A_666 = arith.constant 0 : i32
      %dma_start3A_667 = arith.constant 0 : i32
      %dma_start3A_668 = tpu.memref_slice %arg12[%dma_start3A_666, %dma_start3A_667] : memref<2x64xi32, #tpu.memory_space<vmem>> -> memref<1x64xi32, #tpu.memory_space<vmem>>
      %dma_start3A_669 = tpu.memref_squeeze %dma_start3A_668 : memref<1x64xi32, #tpu.memory_space<vmem>> -> memref<64xi32, #tpu.memory_space<vmem>>
      %dma_start3A_670 = arith.constant 0 : i32
      %dma_start3A_671 = arith.constant 0 : i32
      %dma_start3A_672 = tpu.memref_slice %arg2[%dma_start3A_670, %dma_start3A_671] : memref<10000x128xf32, #tpu.memory_space<hbm>> -> memref<10000x128xf32, #tpu.memory_space<hbm>>
      tpu.enqueue_indirect_dma source(%dma_start3A_672 : memref<10000x128xf32, #tpu.memory_space<hbm>>) target(%arg17 : memref<64x128xf32, #tpu.memory_space<vmem>>) offsets(%dma_start3A_669 : memref<64xi32, #tpu.memory_space<vmem>>) semaphore(%arg30 : memref<!tpu.dma_semaphore, #tpu.memory_space<semaphore_mem>>)
    }
    %scan3A_156 = arith.constant 31 : i32
    %dma_wait3A_157 = arith.constant 0 : i32
    %dma_wait3A_158 = arith.constant 0 : i32
    %dma_wait3A_159 = tpu.memref_slice %arg8[%dma_wait3A_157, %dma_wait3A_158] : memref<2x64xi32, #tpu.memory_space<vmem>> -> memref<1x64xi32, #tpu.memory_space<vmem>>
    %dma_wait3A_160 = tpu.memref_squeeze %dma_wait3A_159 : memref<1x64xi32, #tpu.memory_space<vmem>> -> memref<64xi32, #tpu.memory_space<vmem>>
    %dma_wait3A_161 = arith.constant 0 : i32
    %dma_wait3A_162 = arith.constant 0 : i32
    %dma_wait3A_163 = tpu.memref_slice %arg2[%dma_wait3A_161, %dma_wait3A_162] : memref<10000x128xf32, #tpu.memory_space<hbm>> -> memref<10000x128xf32, #tpu.memory_space<hbm>>
    tpu.wait_indirect_dma semaphore(%arg26 : memref<!tpu.dma_semaphore, #tpu.memory_space<semaphore_mem>>) src(%dma_wait3A_163 : memref<10000x128xf32, #tpu.memory_space<hbm>>) dst(%arg13 : memref<64x128xf32, #tpu.memory_space<vmem>>)
    %dma_start3A_164 = arith.constant 1 : i32
    %dma_start3A_165 = arith.constant 0 : i32
    %dma_start3A_166 = tpu.memref_slice %arg8[%dma_start3A_164, %dma_start3A_165] : memref<2x64xi32, #tpu.memory_space<vmem>> -> memref<1x64xi32, #tpu.memory_space<vmem>>
    %dma_start3A_167 = tpu.memref_squeeze %dma_start3A_166 : memref<1x64xi32, #tpu.memory_space<vmem>> -> memref<64xi32, #tpu.memory_space<vmem>>
    %dma_start3A_168 = arith.constant 0 : i32
    %dma_start3A_169 = arith.constant 0 : i32
    %dma_start3A_170 = tpu.memref_slice %arg19[%dma_start3A_168, %dma_start3A_169] : memref<10240x128xf32, #tpu.memory_space<vmem_shared>> -> memref<10240x128xf32, #tpu.memory_space<vmem_shared>>
    tpu.enqueue_indirect_dma source(%arg13 : memref<64x128xf32, #tpu.memory_space<vmem>>) target(%dma_start3A_170 : memref<10240x128xf32, #tpu.memory_space<vmem_shared>>) offsets(%dma_start3A_167 : memref<64xi32, #tpu.memory_space<vmem>>) semaphore(%arg31 : memref<!tpu.dma_semaphore, #tpu.memory_space<semaphore_mem>>) {add = true}
    %dma_start3A_171 = arith.constant 1 : i32
    %dma_start3A_172 = arith.constant 0 : i32
    %dma_start3A_173 = tpu.memref_slice %arg8[%dma_start3A_171, %dma_start3A_172] : memref<2x64xi32, #tpu.memory_space<vmem>> -> memref<1x64xi32, #tpu.memory_space<vmem>>
    %dma_start3A_174 = tpu.memref_squeeze %dma_start3A_173 : memref<1x64xi32, #tpu.memory_space<vmem>> -> memref<64xi32, #tpu.memory_space<vmem>>
    %dma_start3A_175 = arith.constant 0 : i32
    %dma_start3A_176 = tpu.memref_slice %arg20[%dma_start3A_175] : memref<10240xf32, #tpu.memory_space<vmem_shared>> -> memref<10240xf32, #tpu.memory_space<vmem_shared>>
    tpu.enqueue_indirect_dma source(%arg18 : memref<64xf32, #tpu.memory_space<vmem>>) target(%dma_start3A_176 : memref<10240xf32, #tpu.memory_space<vmem_shared>>) offsets(%dma_start3A_174 : memref<64xi32, #tpu.memory_space<vmem>>) semaphore(%arg36 : memref<!tpu.dma_semaphore, #tpu.memory_space<semaphore_mem>>) {add = true}
    %dma_wait3A_177 = arith.constant 0 : i32
    %dma_wait3A_178 = arith.constant 0 : i32
    %dma_wait3A_179 = tpu.memref_slice %arg9[%dma_wait3A_177, %dma_wait3A_178] : memref<2x64xi32, #tpu.memory_space<vmem>> -> memref<1x64xi32, #tpu.memory_space<vmem>>
    %dma_wait3A_180 = tpu.memref_squeeze %dma_wait3A_179 : memref<1x64xi32, #tpu.memory_space<vmem>> -> memref<64xi32, #tpu.memory_space<vmem>>
    %dma_wait3A_181 = arith.constant 0 : i32
    %dma_wait3A_182 = arith.constant 0 : i32
    %dma_wait3A_183 = tpu.memref_slice %arg2[%dma_wait3A_181, %dma_wait3A_182] : memref<10000x128xf32, #tpu.memory_space<hbm>> -> memref<10000x128xf32, #tpu.memory_space<hbm>>
    tpu.wait_indirect_dma semaphore(%arg27 : memref<!tpu.dma_semaphore, #tpu.memory_space<semaphore_mem>>) src(%dma_wait3A_183 : memref<10000x128xf32, #tpu.memory_space<hbm>>) dst(%arg14 : memref<64x128xf32, #tpu.memory_space<vmem>>)
    %dma_start3A_184 = arith.constant 1 : i32
    %dma_start3A_185 = arith.constant 0 : i32
    %dma_start3A_186 = tpu.memref_slice %arg9[%dma_start3A_184, %dma_start3A_185] : memref<2x64xi32, #tpu.memory_space<vmem>> -> memref<1x64xi32, #tpu.memory_space<vmem>>
    %dma_start3A_187 = tpu.memref_squeeze %dma_start3A_186 : memref<1x64xi32, #tpu.memory_space<vmem>> -> memref<64xi32, #tpu.memory_space<vmem>>
    %dma_start3A_188 = arith.constant 0 : i32
    %dma_start3A_189 = arith.constant 0 : i32
    %dma_start3A_190 = tpu.memref_slice %arg19[%dma_start3A_188, %dma_start3A_189] : memref<10240x128xf32, #tpu.memory_space<vmem_shared>> -> memref<10240x128xf32, #tpu.memory_space<vmem_shared>>
    tpu.enqueue_indirect_dma source(%arg14 : memref<64x128xf32, #tpu.memory_space<vmem>>) target(%dma_start3A_190 : memref<10240x128xf32, #tpu.memory_space<vmem_shared>>) offsets(%dma_start3A_187 : memref<64xi32, #tpu.memory_space<vmem>>) semaphore(%arg32 : memref<!tpu.dma_semaphore, #tpu.memory_space<semaphore_mem>>) {add = true}
    %dma_start3A_191 = arith.constant 1 : i32
    %dma_start3A_192 = arith.constant 0 : i32
    %dma_start3A_193 = tpu.memref_slice %arg9[%dma_start3A_191, %dma_start3A_192] : memref<2x64xi32, #tpu.memory_space<vmem>> -> memref<1x64xi32, #tpu.memory_space<vmem>>
    %dma_start3A_194 = tpu.memref_squeeze %dma_start3A_193 : memref<1x64xi32, #tpu.memory_space<vmem>> -> memref<64xi32, #tpu.memory_space<vmem>>
    %dma_start3A_195 = arith.constant 0 : i32
    %dma_start3A_196 = tpu.memref_slice %arg20[%dma_start3A_195] : memref<10240xf32, #tpu.memory_space<vmem_shared>> -> memref<10240xf32, #tpu.memory_space<vmem_shared>>
    tpu.enqueue_indirect_dma source(%arg18 : memref<64xf32, #tpu.memory_space<vmem>>) target(%dma_start3A_196 : memref<10240xf32, #tpu.memory_space<vmem_shared>>) offsets(%dma_start3A_194 : memref<64xi32, #tpu.memory_space<vmem>>) semaphore(%arg37 : memref<!tpu.dma_semaphore, #tpu.memory_space<semaphore_mem>>) {add = true}
    %dma_wait3A_197 = arith.constant 0 : i32
    %dma_wait3A_198 = arith.constant 0 : i32
    %dma_wait3A_199 = tpu.memref_slice %arg10[%dma_wait3A_197, %dma_wait3A_198] : memref<2x64xi32, #tpu.memory_space<vmem>> -> memref<1x64xi32, #tpu.memory_space<vmem>>
    %dma_wait3A_200 = tpu.memref_squeeze %dma_wait3A_199 : memref<1x64xi32, #tpu.memory_space<vmem>> -> memref<64xi32, #tpu.memory_space<vmem>>
    %dma_wait3A_201 = arith.constant 0 : i32
    %dma_wait3A_202 = arith.constant 0 : i32
    %dma_wait3A_203 = tpu.memref_slice %arg2[%dma_wait3A_201, %dma_wait3A_202] : memref<10000x128xf32, #tpu.memory_space<hbm>> -> memref<10000x128xf32, #tpu.memory_space<hbm>>
    tpu.wait_indirect_dma semaphore(%arg28 : memref<!tpu.dma_semaphore, #tpu.memory_space<semaphore_mem>>) src(%dma_wait3A_203 : memref<10000x128xf32, #tpu.memory_space<hbm>>) dst(%arg15 : memref<64x128xf32, #tpu.memory_space<vmem>>)
    %dma_start3A_204 = arith.constant 1 : i32
    %dma_start3A_205 = arith.constant 0 : i32
    %dma_start3A_206 = tpu.memref_slice %arg10[%dma_start3A_204, %dma_start3A_205] : memref<2x64xi32, #tpu.memory_space<vmem>> -> memref<1x64xi32, #tpu.memory_space<vmem>>
    %dma_start3A_207 = tpu.memref_squeeze %dma_start3A_206 : memref<1x64xi32, #tpu.memory_space<vmem>> -> memref<64xi32, #tpu.memory_space<vmem>>
    %dma_start3A_208 = arith.constant 0 : i32
    %dma_start3A_209 = arith.constant 0 : i32
    %dma_start3A_210 = tpu.memref_slice %arg19[%dma_start3A_208, %dma_start3A_209] : memref<10240x128xf32, #tpu.memory_space<vmem_shared>> -> memref<10240x128xf32, #tpu.memory_space<vmem_shared>>
    tpu.enqueue_indirect_dma source(%arg15 : memref<64x128xf32, #tpu.memory_space<vmem>>) target(%dma_start3A_210 : memref<10240x128xf32, #tpu.memory_space<vmem_shared>>) offsets(%dma_start3A_207 : memref<64xi32, #tpu.memory_space<vmem>>) semaphore(%arg33 : memref<!tpu.dma_semaphore, #tpu.memory_space<semaphore_mem>>) {add = true}
    %dma_start3A_211 = arith.constant 1 : i32
    %dma_start3A_212 = arith.constant 0 : i32
    %dma_start3A_213 = tpu.memref_slice %arg10[%dma_start3A_211, %dma_start3A_212] : memref<2x64xi32, #tpu.memory_space<vmem>> -> memref<1x64xi32, #tpu.memory_space<vmem>>
    %dma_start3A_214 = tpu.memref_squeeze %dma_start3A_213 : memref<1x64xi32, #tpu.memory_space<vmem>> -> memref<64xi32, #tpu.memory_space<vmem>>
    %dma_start3A_215 = arith.constant 0 : i32
    %dma_start3A_216 = tpu.memref_slice %arg20[%dma_start3A_215] : memref<10240xf32, #tpu.memory_space<vmem_shared>> -> memref<10240xf32, #tpu.memory_space<vmem_shared>>
    tpu.enqueue_indirect_dma source(%arg18 : memref<64xf32, #tpu.memory_space<vmem>>) target(%dma_start3A_216 : memref<10240xf32, #tpu.memory_space<vmem_shared>>) offsets(%dma_start3A_214 : memref<64xi32, #tpu.memory_space<vmem>>) semaphore(%arg38 : memref<!tpu.dma_semaphore, #tpu.memory_space<semaphore_mem>>) {add = true}
    %dma_wait3A_217 = arith.constant 0 : i32
    %dma_wait3A_218 = arith.constant 0 : i32
    %dma_wait3A_219 = tpu.memref_slice %arg11[%dma_wait3A_217, %dma_wait3A_218] : memref<2x64xi32, #tpu.memory_space<vmem>> -> memref<1x64xi32, #tpu.memory_space<vmem>>
    %dma_wait3A_220 = tpu.memref_squeeze %dma_wait3A_219 : memref<1x64xi32, #tpu.memory_space<vmem>> -> memref<64xi32, #tpu.memory_space<vmem>>
    %dma_wait3A_221 = arith.constant 0 : i32
    %dma_wait3A_222 = arith.constant 0 : i32
    %dma_wait3A_223 = tpu.memref_slice %arg2[%dma_wait3A_221, %dma_wait3A_222] : memref<10000x128xf32, #tpu.memory_space<hbm>> -> memref<10000x128xf32, #tpu.memory_space<hbm>>
    tpu.wait_indirect_dma semaphore(%arg29 : memref<!tpu.dma_semaphore, #tpu.memory_space<semaphore_mem>>) src(%dma_wait3A_223 : memref<10000x128xf32, #tpu.memory_space<hbm>>) dst(%arg16 : memref<64x128xf32, #tpu.memory_space<vmem>>)
    %dma_start3A_224 = arith.constant 1 : i32
    %dma_start3A_225 = arith.constant 0 : i32
    %dma_start3A_226 = tpu.memref_slice %arg11[%dma_start3A_224, %dma_start3A_225] : memref<2x64xi32, #tpu.memory_space<vmem>> -> memref<1x64xi32, #tpu.memory_space<vmem>>
    %dma_start3A_227 = tpu.memref_squeeze %dma_start3A_226 : memref<1x64xi32, #tpu.memory_space<vmem>> -> memref<64xi32, #tpu.memory_space<vmem>>
    %dma_start3A_228 = arith.constant 0 : i32
    %dma_start3A_229 = arith.constant 0 : i32
    %dma_start3A_230 = tpu.memref_slice %arg19[%dma_start3A_228, %dma_start3A_229] : memref<10240x128xf32, #tpu.memory_space<vmem_shared>> -> memref<10240x128xf32, #tpu.memory_space<vmem_shared>>
    tpu.enqueue_indirect_dma source(%arg16 : memref<64x128xf32, #tpu.memory_space<vmem>>) target(%dma_start3A_230 : memref<10240x128xf32, #tpu.memory_space<vmem_shared>>) offsets(%dma_start3A_227 : memref<64xi32, #tpu.memory_space<vmem>>) semaphore(%arg34 : memref<!tpu.dma_semaphore, #tpu.memory_space<semaphore_mem>>) {add = true}
    %dma_start3A_231 = arith.constant 1 : i32
    %dma_start3A_232 = arith.constant 0 : i32
    %dma_start3A_233 = tpu.memref_slice %arg11[%dma_start3A_231, %dma_start3A_232] : memref<2x64xi32, #tpu.memory_space<vmem>> -> memref<1x64xi32, #tpu.memory_space<vmem>>
    %dma_start3A_234 = tpu.memref_squeeze %dma_start3A_233 : memref<1x64xi32, #tpu.memory_space<vmem>> -> memref<64xi32, #tpu.memory_space<vmem>>
    %dma_start3A_235 = arith.constant 0 : i32
    %dma_start3A_236 = tpu.memref_slice %arg20[%dma_start3A_235] : memref<10240xf32, #tpu.memory_space<vmem_shared>> -> memref<10240xf32, #tpu.memory_space<vmem_shared>>
    tpu.enqueue_indirect_dma source(%arg18 : memref<64xf32, #tpu.memory_space<vmem>>) target(%dma_start3A_236 : memref<10240xf32, #tpu.memory_space<vmem_shared>>) offsets(%dma_start3A_234 : memref<64xi32, #tpu.memory_space<vmem>>) semaphore(%arg39 : memref<!tpu.dma_semaphore, #tpu.memory_space<semaphore_mem>>) {add = true}
    %dma_wait3A_237 = arith.constant 0 : i32
    %dma_wait3A_238 = arith.constant 0 : i32
    %dma_wait3A_239 = tpu.memref_slice %arg12[%dma_wait3A_237, %dma_wait3A_238] : memref<2x64xi32, #tpu.memory_space<vmem>> -> memref<1x64xi32, #tpu.memory_space<vmem>>
    %dma_wait3A_240 = tpu.memref_squeeze %dma_wait3A_239 : memref<1x64xi32, #tpu.memory_space<vmem>> -> memref<64xi32, #tpu.memory_space<vmem>>
    %dma_wait3A_241 = arith.constant 0 : i32
    %dma_wait3A_242 = arith.constant 0 : i32
    %dma_wait3A_243 = tpu.memref_slice %arg2[%dma_wait3A_241, %dma_wait3A_242] : memref<10000x128xf32, #tpu.memory_space<hbm>> -> memref<10000x128xf32, #tpu.memory_space<hbm>>
    tpu.wait_indirect_dma semaphore(%arg30 : memref<!tpu.dma_semaphore, #tpu.memory_space<semaphore_mem>>) src(%dma_wait3A_243 : memref<10000x128xf32, #tpu.memory_space<hbm>>) dst(%arg17 : memref<64x128xf32, #tpu.memory_space<vmem>>)
    %dma_start3A_244 = arith.constant 1 : i32
    %dma_start3A_245 = arith.constant 0 : i32
    %dma_start3A_246 = tpu.memref_slice %arg12[%dma_start3A_244, %dma_start3A_245] : memref<2x64xi32, #tpu.memory_space<vmem>> -> memref<1x64xi32, #tpu.memory_space<vmem>>
    %dma_start3A_247 = tpu.memref_squeeze %dma_start3A_246 : memref<1x64xi32, #tpu.memory_space<vmem>> -> memref<64xi32, #tpu.memory_space<vmem>>
    %dma_start3A_248 = arith.constant 0 : i32
    %dma_start3A_249 = arith.constant 0 : i32
    %dma_start3A_250 = tpu.memref_slice %arg19[%dma_start3A_248, %dma_start3A_249] : memref<10240x128xf32, #tpu.memory_space<vmem_shared>> -> memref<10240x128xf32, #tpu.memory_space<vmem_shared>>
    tpu.enqueue_indirect_dma source(%arg17 : memref<64x128xf32, #tpu.memory_space<vmem>>) target(%dma_start3A_250 : memref<10240x128xf32, #tpu.memory_space<vmem_shared>>) offsets(%dma_start3A_247 : memref<64xi32, #tpu.memory_space<vmem>>) semaphore(%arg35 : memref<!tpu.dma_semaphore, #tpu.memory_space<semaphore_mem>>) {add = true}
    %dma_start3A_251 = arith.constant 1 : i32
    %dma_start3A_252 = arith.constant 0 : i32
    %dma_start3A_253 = tpu.memref_slice %arg12[%dma_start3A_251, %dma_start3A_252] : memref<2x64xi32, #tpu.memory_space<vmem>> -> memref<1x64xi32, #tpu.memory_space<vmem>>
    %dma_start3A_254 = tpu.memref_squeeze %dma_start3A_253 : memref<1x64xi32, #tpu.memory_space<vmem>> -> memref<64xi32, #tpu.memory_space<vmem>>
    %dma_start3A_255 = arith.constant 0 : i32
    %dma_start3A_256 = tpu.memref_slice %arg20[%dma_start3A_255] : memref<10240xf32, #tpu.memory_space<vmem_shared>> -> memref<10240xf32, #tpu.memory_space<vmem_shared>>
    tpu.enqueue_indirect_dma source(%arg18 : memref<64xf32, #tpu.memory_space<vmem>>) target(%dma_start3A_256 : memref<10240xf32, #tpu.memory_space<vmem_shared>>) offsets(%dma_start3A_254 : memref<64xi32, #tpu.memory_space<vmem>>) semaphore(%arg40 : memref<!tpu.dma_semaphore, #tpu.memory_space<semaphore_mem>>) {add = true}
    %dma_wait3A_257 = arith.constant 1 : i32
    %dma_wait3A_258 = arith.constant 0 : i32
    %dma_wait3A_259 = tpu.memref_slice %arg8[%dma_wait3A_257, %dma_wait3A_258] : memref<2x64xi32, #tpu.memory_space<vmem>> -> memref<1x64xi32, #tpu.memory_space<vmem>>
    %dma_wait3A_260 = tpu.memref_squeeze %dma_wait3A_259 : memref<1x64xi32, #tpu.memory_space<vmem>> -> memref<64xi32, #tpu.memory_space<vmem>>
    %dma_wait3A_261 = arith.constant 0 : i32
    %dma_wait3A_262 = arith.constant 0 : i32
    %dma_wait3A_263 = tpu.memref_slice %arg19[%dma_wait3A_261, %dma_wait3A_262] : memref<10240x128xf32, #tpu.memory_space<vmem_shared>> -> memref<10240x128xf32, #tpu.memory_space<vmem_shared>>
    tpu.wait_indirect_dma semaphore(%arg31 : memref<!tpu.dma_semaphore, #tpu.memory_space<semaphore_mem>>) src(%arg13 : memref<64x128xf32, #tpu.memory_space<vmem>>) dst(%dma_wait3A_263 : memref<10240x128xf32, #tpu.memory_space<vmem_shared>>)
    %dma_wait3A_264 = arith.constant 1 : i32
    %dma_wait3A_265 = arith.constant 0 : i32
    %dma_wait3A_266 = tpu.memref_slice %arg8[%dma_wait3A_264, %dma_wait3A_265] : memref<2x64xi32, #tpu.memory_space<vmem>> -> memref<1x64xi32, #tpu.memory_space<vmem>>
    %dma_wait3A_267 = tpu.memref_squeeze %dma_wait3A_266 : memref<1x64xi32, #tpu.memory_space<vmem>> -> memref<64xi32, #tpu.memory_space<vmem>>
    %dma_wait3A_268 = arith.constant 0 : i32
    %dma_wait3A_269 = tpu.memref_slice %arg20[%dma_wait3A_268] : memref<10240xf32, #tpu.memory_space<vmem_shared>> -> memref<10240xf32, #tpu.memory_space<vmem_shared>>
    tpu.wait_indirect_dma semaphore(%arg36 : memref<!tpu.dma_semaphore, #tpu.memory_space<semaphore_mem>>) src(%arg18 : memref<64xf32, #tpu.memory_space<vmem>>) dst(%dma_wait3A_269 : memref<10240xf32, #tpu.memory_space<vmem_shared>>)
    %dma_wait3A_270 = arith.constant 1 : i32
    %dma_wait3A_271 = arith.constant 0 : i32
    %dma_wait3A_272 = tpu.memref_slice %arg9[%dma_wait3A_270, %dma_wait3A_271] : memref<2x64xi32, #tpu.memory_space<vmem>> -> memref<1x64xi32, #tpu.memory_space<vmem>>
    %dma_wait3A_273 = tpu.memref_squeeze %dma_wait3A_272 : memref<1x64xi32, #tpu.memory_space<vmem>> -> memref<64xi32, #tpu.memory_space<vmem>>
    %dma_wait3A_274 = arith.constant 0 : i32
    %dma_wait3A_275 = arith.constant 0 : i32
    %dma_wait3A_276 = tpu.memref_slice %arg19[%dma_wait3A_274, %dma_wait3A_275] : memref<10240x128xf32, #tpu.memory_space<vmem_shared>> -> memref<10240x128xf32, #tpu.memory_space<vmem_shared>>
    tpu.wait_indirect_dma semaphore(%arg32 : memref<!tpu.dma_semaphore, #tpu.memory_space<semaphore_mem>>) src(%arg14 : memref<64x128xf32, #tpu.memory_space<vmem>>) dst(%dma_wait3A_276 : memref<10240x128xf32, #tpu.memory_space<vmem_shared>>)
    %dma_wait3A_277 = arith.constant 1 : i32
    %dma_wait3A_278 = arith.constant 0 : i32
    %dma_wait3A_279 = tpu.memref_slice %arg9[%dma_wait3A_277, %dma_wait3A_278] : memref<2x64xi32, #tpu.memory_space<vmem>> -> memref<1x64xi32, #tpu.memory_space<vmem>>
    %dma_wait3A_280 = tpu.memref_squeeze %dma_wait3A_279 : memref<1x64xi32, #tpu.memory_space<vmem>> -> memref<64xi32, #tpu.memory_space<vmem>>
    %dma_wait3A_281 = arith.constant 0 : i32
    %dma_wait3A_282 = tpu.memref_slice %arg20[%dma_wait3A_281] : memref<10240xf32, #tpu.memory_space<vmem_shared>> -> memref<10240xf32, #tpu.memory_space<vmem_shared>>
    tpu.wait_indirect_dma semaphore(%arg37 : memref<!tpu.dma_semaphore, #tpu.memory_space<semaphore_mem>>) src(%arg18 : memref<64xf32, #tpu.memory_space<vmem>>) dst(%dma_wait3A_282 : memref<10240xf32, #tpu.memory_space<vmem_shared>>)
    %dma_wait3A_283 = arith.constant 1 : i32
    %dma_wait3A_284 = arith.constant 0 : i32
    %dma_wait3A_285 = tpu.memref_slice %arg10[%dma_wait3A_283, %dma_wait3A_284] : memref<2x64xi32, #tpu.memory_space<vmem>> -> memref<1x64xi32, #tpu.memory_space<vmem>>
    %dma_wait3A_286 = tpu.memref_squeeze %dma_wait3A_285 : memref<1x64xi32, #tpu.memory_space<vmem>> -> memref<64xi32, #tpu.memory_space<vmem>>
    %dma_wait3A_287 = arith.constant 0 : i32
    %dma_wait3A_288 = arith.constant 0 : i32
    %dma_wait3A_289 = tpu.memref_slice %arg19[%dma_wait3A_287, %dma_wait3A_288] : memref<10240x128xf32, #tpu.memory_space<vmem_shared>> -> memref<10240x128xf32, #tpu.memory_space<vmem_shared>>
    tpu.wait_indirect_dma semaphore(%arg33 : memref<!tpu.dma_semaphore, #tpu.memory_space<semaphore_mem>>) src(%arg15 : memref<64x128xf32, #tpu.memory_space<vmem>>) dst(%dma_wait3A_289 : memref<10240x128xf32, #tpu.memory_space<vmem_shared>>)
    %dma_wait3A_290 = arith.constant 1 : i32
    %dma_wait3A_291 = arith.constant 0 : i32
    %dma_wait3A_292 = tpu.memref_slice %arg10[%dma_wait3A_290, %dma_wait3A_291] : memref<2x64xi32, #tpu.memory_space<vmem>> -> memref<1x64xi32, #tpu.memory_space<vmem>>
    %dma_wait3A_293 = tpu.memref_squeeze %dma_wait3A_292 : memref<1x64xi32, #tpu.memory_space<vmem>> -> memref<64xi32, #tpu.memory_space<vmem>>
    %dma_wait3A_294 = arith.constant 0 : i32
    %dma_wait3A_295 = tpu.memref_slice %arg20[%dma_wait3A_294] : memref<10240xf32, #tpu.memory_space<vmem_shared>> -> memref<10240xf32, #tpu.memory_space<vmem_shared>>
    tpu.wait_indirect_dma semaphore(%arg38 : memref<!tpu.dma_semaphore, #tpu.memory_space<semaphore_mem>>) src(%arg18 : memref<64xf32, #tpu.memory_space<vmem>>) dst(%dma_wait3A_295 : memref<10240xf32, #tpu.memory_space<vmem_shared>>)
    %dma_wait3A_296 = arith.constant 1 : i32
    %dma_wait3A_297 = arith.constant 0 : i32
    %dma_wait3A_298 = tpu.memref_slice %arg11[%dma_wait3A_296, %dma_wait3A_297] : memref<2x64xi32, #tpu.memory_space<vmem>> -> memref<1x64xi32, #tpu.memory_space<vmem>>
    %dma_wait3A_299 = tpu.memref_squeeze %dma_wait3A_298 : memref<1x64xi32, #tpu.memory_space<vmem>> -> memref<64xi32, #tpu.memory_space<vmem>>
    %dma_wait3A_300 = arith.constant 0 : i32
    %dma_wait3A_301 = arith.constant 0 : i32
    %dma_wait3A_302 = tpu.memref_slice %arg19[%dma_wait3A_300, %dma_wait3A_301] : memref<10240x128xf32, #tpu.memory_space<vmem_shared>> -> memref<10240x128xf32, #tpu.memory_space<vmem_shared>>
    tpu.wait_indirect_dma semaphore(%arg34 : memref<!tpu.dma_semaphore, #tpu.memory_space<semaphore_mem>>) src(%arg16 : memref<64x128xf32, #tpu.memory_space<vmem>>) dst(%dma_wait3A_302 : memref<10240x128xf32, #tpu.memory_space<vmem_shared>>)
    %dma_wait3A_303 = arith.constant 1 : i32
    %dma_wait3A_304 = arith.constant 0 : i32
    %dma_wait3A_305 = tpu.memref_slice %arg11[%dma_wait3A_303, %dma_wait3A_304] : memref<2x64xi32, #tpu.memory_space<vmem>> -> memref<1x64xi32, #tpu.memory_space<vmem>>
    %dma_wait3A_306 = tpu.memref_squeeze %dma_wait3A_305 : memref<1x64xi32, #tpu.memory_space<vmem>> -> memref<64xi32, #tpu.memory_space<vmem>>
    %dma_wait3A_307 = arith.constant 0 : i32
    %dma_wait3A_308 = tpu.memref_slice %arg20[%dma_wait3A_307] : memref<10240xf32, #tpu.memory_space<vmem_shared>> -> memref<10240xf32, #tpu.memory_space<vmem_shared>>
    tpu.wait_indirect_dma semaphore(%arg39 : memref<!tpu.dma_semaphore, #tpu.memory_space<semaphore_mem>>) src(%arg18 : memref<64xf32, #tpu.memory_space<vmem>>) dst(%dma_wait3A_308 : memref<10240xf32, #tpu.memory_space<vmem_shared>>)
    %dma_wait3A_309 = arith.constant 1 : i32
    %dma_wait3A_310 = arith.constant 0 : i32
    %dma_wait3A_311 = tpu.memref_slice %arg12[%dma_wait3A_309, %dma_wait3A_310] : memref<2x64xi32, #tpu.memory_space<vmem>> -> memref<1x64xi32, #tpu.memory_space<vmem>>
    %dma_wait3A_312 = tpu.memref_squeeze %dma_wait3A_311 : memref<1x64xi32, #tpu.memory_space<vmem>> -> memref<64xi32, #tpu.memory_space<vmem>>
    %dma_wait3A_313 = arith.constant 0 : i32
    %dma_wait3A_314 = arith.constant 0 : i32
    %dma_wait3A_315 = tpu.memref_slice %arg19[%dma_wait3A_313, %dma_wait3A_314] : memref<10240x128xf32, #tpu.memory_space<vmem_shared>> -> memref<10240x128xf32, #tpu.memory_space<vmem_shared>>
    tpu.wait_indirect_dma semaphore(%arg35 : memref<!tpu.dma_semaphore, #tpu.memory_space<semaphore_mem>>) src(%arg17 : memref<64x128xf32, #tpu.memory_space<vmem>>) dst(%dma_wait3A_315 : memref<10240x128xf32, #tpu.memory_space<vmem_shared>>)
    %dma_wait3A_316 = arith.constant 1 : i32
    %dma_wait3A_317 = arith.constant 0 : i32
    %dma_wait3A_318 = tpu.memref_slice %arg12[%dma_wait3A_316, %dma_wait3A_317] : memref<2x64xi32, #tpu.memory_space<vmem>> -> memref<1x64xi32, #tpu.memory_space<vmem>>
    %dma_wait3A_319 = tpu.memref_squeeze %dma_wait3A_318 : memref<1x64xi32, #tpu.memory_space<vmem>> -> memref<64xi32, #tpu.memory_space<vmem>>
    %dma_wait3A_320 = arith.constant 0 : i32
    %dma_wait3A_321 = tpu.memref_slice %arg20[%dma_wait3A_320] : memref<10240xf32, #tpu.memory_space<vmem_shared>> -> memref<10240xf32, #tpu.memory_space<vmem_shared>>
    tpu.wait_indirect_dma semaphore(%arg40 : memref<!tpu.dma_semaphore, #tpu.memory_space<semaphore_mem>>) src(%arg18 : memref<64xf32, #tpu.memory_space<vmem>>) dst(%dma_wait3A_321 : memref<10240xf32, #tpu.memory_space<vmem_shared>>)
    %barrier3A_322 = arith.constant 0 : index
    tpu.barrier barrier_id(%barrier3A_322)
    %mul3A_323 = arith.constant 640 : i32
    %mul3A_324 = arith.muli %arg1, %mul3A_323 : i32
    %mul3A_325 = arith.constant 640 : i32
    %mul3A_326 = arith.muli %arg1, %mul3A_325 : i32
    "tpu.region"() ({
      %run_scoped3A = tpu.sem_alloc : memref<!tpu.dma_semaphore, #tpu.memory_space<semaphore_mem>>
      %dma_start3A_332 = arith.constant 0 : i32
      %dma_start3A_333 = tpu.memref_slice %arg6[%arg0, %mul3A_326, %dma_start3A_332] : memref<2x10240x128xf32, #tpu.memory_space<hbm>> -> memref<1x640x128xf32, #tpu.memory_space<hbm>>
      %dma_start3A_334 = tpu.memref_squeeze %dma_start3A_333 : memref<1x640x128xf32, #tpu.memory_space<hbm>> -> memref<640x128xf32, #tpu.memory_space<hbm>>
      %dma_start3A_335 = arith.constant 0 : i32
      %dma_start3A_336 = tpu.memref_slice %arg19[%mul3A_324, %dma_start3A_335] : memref<10240x128xf32, #tpu.memory_space<vmem_shared>> -> memref<640x128xf32, #tpu.memory_space<vmem_shared>>
      tpu.enqueue_dma source(%dma_start3A_336 : memref<640x128xf32, #tpu.memory_space<vmem_shared>>) target(%dma_start3A_334 : memref<640x128xf32, #tpu.memory_space<hbm>>) target_semaphore(%run_scoped3A : memref<!tpu.dma_semaphore, #tpu.memory_space<semaphore_mem>>)
      %dma_wait3A_337 = arith.constant 0 : i32
      %dma_wait3A_338 = tpu.memref_slice %arg6[%arg0, %mul3A_326, %dma_wait3A_337] : memref<2x10240x128xf32, #tpu.memory_space<hbm>> -> memref<1x640x128xf32, #tpu.memory_space<hbm>>
      %dma_wait3A_339 = tpu.memref_squeeze %dma_wait3A_338 : memref<1x640x128xf32, #tpu.memory_space<hbm>> -> memref<640x128xf32, #tpu.memory_space<hbm>>
      %dma_wait3A_340 = arith.constant 0 : i32
      %dma_wait3A_341 = tpu.memref_slice %arg19[%mul3A_324, %dma_wait3A_340] : memref<10240x128xf32, #tpu.memory_space<vmem_shared>> -> memref<640x128xf32, #tpu.memory_space<vmem_shared>>
      tpu.wait_dma2 semaphore(%run_scoped3A : memref<!tpu.dma_semaphore, #tpu.memory_space<semaphore_mem>>) src(%dma_wait3A_341 : memref<640x128xf32, #tpu.memory_space<vmem_shared>>) dst(%dma_wait3A_339 : memref<640x128xf32, #tpu.memory_space<hbm>>)
      tpu.yield
    }) : () -> ()
    %eq3A_327 = arith.constant 0 : i32
    %eq3A_328 = arith.cmpi eq, %arg1, %eq3A_327 : i32
    %convert_element_type3A_329 = arith.extui %eq3A_328 : i1 to i32
    %cond3A_330 = arith.constant 0 : i32
    %cond3A_331 = arith.cmpi ne, %convert_element_type3A_329, %cond3A_330 : i32
    scf.if %cond3A_331 {
      "tpu.region"() ({
        %run_scoped3A = tpu.sem_alloc : memref<!tpu.dma_semaphore, #tpu.memory_space<semaphore_mem>>
        %dma_start3A_332 = arith.constant 0 : i32
        %dma_start3A_333 = tpu.memref_slice %arg7[%arg0, %dma_start3A_332] : memref<2x10240xf32, #tpu.memory_space<hbm>> -> memref<1x10240xf32, #tpu.memory_space<hbm>>
        %dma_start3A_334 = tpu.memref_squeeze %dma_start3A_333 : memref<1x10240xf32, #tpu.memory_space<hbm>> -> memref<10240xf32, #tpu.memory_space<hbm>>
        tpu.enqueue_dma source(%arg20 : memref<10240xf32, #tpu.memory_space<vmem_shared>>) target(%dma_start3A_334 : memref<10240xf32, #tpu.memory_space<hbm>>) target_semaphore(%run_scoped3A : memref<!tpu.dma_semaphore, #tpu.memory_space<semaphore_mem>>)
        %dma_wait3A_335 = arith.constant 0 : i32
        %dma_wait3A_336 = tpu.memref_slice %arg7[%arg0, %dma_wait3A_335] : memref<2x10240xf32, #tpu.memory_space<hbm>> -> memref<1x10240xf32, #tpu.memory_space<hbm>>
        %dma_wait3A_337 = tpu.memref_squeeze %dma_wait3A_336 : memref<1x10240xf32, #tpu.memory_space<hbm>> -> memref<10240xf32, #tpu.memory_space<hbm>>
        tpu.wait_dma2 semaphore(%run_scoped3A : memref<!tpu.dma_semaphore, #tpu.memory_space<semaphore_mem>>) src(%arg20 : memref<10240xf32, #tpu.memory_space<vmem_shared>>) dst(%dma_wait3A_337 : memref<10240xf32, #tpu.memory_space<hbm>>)
        tpu.yield
      }) : () -> ()
    } else {
    }
    return
  }
}

module attributes {stable_mosaic.version = 14 : i64} {
  func.func @_pre_body(%arg0: i32, %arg1: memref<1000x128xf32, #tpu.memory_space<vmem>>, %arg2: memref<128x128xf32, #tpu.memory_space<vmem>>, %arg3: memref<128x128xf32, #tpu.memory_space<vmem>>, %arg4: memref<1x128xf32, #tpu.memory_space<vmem>>, %arg5: memref<1000x128xf32, #tpu.memory_space<vmem>>, %arg6: memref<1000x128xf32, #tpu.memory_space<vmem>>) attributes {dimension_semantics = [#tpu.dimension_semantics<arbitrary>], iteration_bounds = array<i64: 10>, scalar_prefetch = 0 : i64, scratch_operands = 0 : i64, tpu.core_type = #tpu.core_type<tc>, window_params = [{transform_indices = @transform_0, window_bounds = array<i64: 1000, 128>}, {pipeline_mode = #tpu.pipeline_mode<synchronous>, transform_indices = @transform_1, window_bounds = array<i64: 128, 128>}, {pipeline_mode = #tpu.pipeline_mode<synchronous>, transform_indices = @transform_2, window_bounds = array<i64: 128, 128>}, {pipeline_mode = #tpu.pipeline_mode<synchronous>, transform_indices = @transform_3, window_bounds = array<i64: 1, 128>}, {transform_indices = @transform_4, window_bounds = array<i64: 1000, 128>}, {transform_indices = @transform_5, window_bounds = array<i64: 1000, 128>}]} {
    %get3A = arith.constant 0 : index
    %get3A_0 = arith.constant 0 : index
    %get3A_1 = vector.load %arg1[%get3A, %get3A_0] : memref<1000x128xf32, #tpu.memory_space<vmem>>, vector<1000x128xf32>
    %get3A_2 = arith.constant 0 : index
    %get3A_3 = arith.constant 0 : index
    %get3A_4 = vector.load %arg2[%get3A_2, %get3A_3] : memref<128x128xf32, #tpu.memory_space<vmem>>, vector<128x128xf32>
    %dot_general3A = arith.constant dense<0.000000e+00> : vector<1000x128xf32>
    %dot_general3A_5 = tpu.matmul %get3A_1, %get3A_4, %dot_general3A {dimension_numbers = #tpu.dot_dimension_numbers<[1], [0], [0], [1], [0, 0, 1, 1], [], []>, transpose_lhs_hint = false} : vector<1000x128xf32>, vector<128x128xf32>, vector<1000x128xf32> -> vector<1000x128xf32>
    %swap3A = arith.constant 0 : index
    %swap3A_6 = arith.constant 0 : index
    %swap3A_7 = vector.load %arg5[%swap3A, %swap3A_6] : memref<1000x128xf32, #tpu.memory_space<vmem>>, vector<1000x128xf32>
    tpu.vector_store %arg5[%swap3A, %swap3A_6], %dot_general3A_5 {strides = array<i32>} : memref<1000x128xf32, #tpu.memory_space<vmem>>, vector<1000x128xf32>,
    %get3A_8 = arith.constant 0 : index
    %get3A_9 = arith.constant 0 : index
    %get3A_10 = vector.load %arg3[%get3A_8, %get3A_9] : memref<128x128xf32, #tpu.memory_space<vmem>>, vector<128x128xf32>
    %dot_general3A_11 = arith.constant dense<0.000000e+00> : vector<1000x128xf32>
    %dot_general3A_12 = tpu.matmul %get3A_1, %get3A_10, %dot_general3A_11 {dimension_numbers = #tpu.dot_dimension_numbers<[1], [0], [0], [1], [0, 0, 1, 1], [], []>, transpose_lhs_hint = false} : vector<1000x128xf32>, vector<128x128xf32>, vector<1000x128xf32> -> vector<1000x128xf32>
    %get3A_13 = arith.constant 0 : index
    %get3A_14 = arith.constant 0 : index
    %get3A_15 = vector.load %arg4[%get3A_13, %get3A_14] : memref<1x128xf32, #tpu.memory_space<vmem>>, vector<1x128xf32>
    %add3A = vector.broadcast %get3A_15 : vector<1x128xf32> to vector<1000x128xf32>
    %add3A_16 = arith.addf %dot_general3A_12, %add3A : vector<1000x128xf32>
    %swap3A_17 = arith.constant 0 : index
    %swap3A_18 = arith.constant 0 : index
    %swap3A_19 = vector.load %arg6[%swap3A_17, %swap3A_18] : memref<1000x128xf32, #tpu.memory_space<vmem>>, vector<1000x128xf32>
    tpu.vector_store %arg6[%swap3A_17, %swap3A_18], %add3A_16 {strides = array<i32>} : memref<1000x128xf32, #tpu.memory_space<vmem>>, vector<1000x128xf32>,
    return
  }
  func.func @transform_0(%arg0: i32) -> (i32, i32) {
    %c0_i32 = arith.constant 0 : i32
    %c0_i32_0 = arith.constant 0 : i32
    return %arg0, %c0_i32 : i32, i32
  }
  func.func @transform_1(%arg0: i32) -> (i32, i32) {
    %c0_i32 = arith.constant 0 : i32
    %c0_i32_0 = arith.constant 0 : i32
    %c0_i32_1 = arith.constant 0 : i32
    return %c0_i32, %c0_i32_0 : i32, i32
  }
  func.func @transform_2(%arg0: i32) -> (i32, i32) {
    %c0_i32 = arith.constant 0 : i32
    %c0_i32_0 = arith.constant 0 : i32
    %c0_i32_1 = arith.constant 0 : i32
    return %c0_i32, %c0_i32_0 : i32, i32
  }
  func.func @transform_3(%arg0: i32) -> (i32, i32) {
    %c0_i32 = arith.constant 0 : i32
    %c0_i32_0 = arith.constant 0 : i32
    %c0_i32_1 = arith.constant 0 : i32
    return %c0_i32, %c0_i32_0 : i32, i32
  }
  func.func @transform_4(%arg0: i32) -> (i32, i32) {
    %c0_i32 = arith.constant 0 : i32
    %c0_i32_0 = arith.constant 0 : i32
    return %arg0, %c0_i32 : i32, i32
  }
  func.func @transform_5(%arg0: i32) -> (i32, i32) {
    %c0_i32 = arith.constant 0 : i32
    %c0_i32_0 = arith.constant 0 : i32
    return %arg0, %c0_i32 : i32, i32
  }
}

module attributes {stable_mosaic.version = 14 : i64} {
  func.func @_fin_body(%arg0: i32, %arg1: memref<2x1000x128xf32, #tpu.memory_space<vmem>>, %arg2: memref<1000x2xf32, #tpu.memory_space<vmem>>, %arg3: memref<1000x128xf32, #tpu.memory_space<vmem>>, %arg4: memref<1000x128xf32, #tpu.memory_space<vmem>>) attributes {dimension_semantics = [#tpu.dimension_semantics<arbitrary>], iteration_bounds = array<i64: 10>, scalar_prefetch = 0 : i64, scratch_operands = 0 : i64, tpu.core_type = #tpu.core_type<tc>, window_params = [{transform_indices = @transform_0, window_bounds = array<i64: 2, 1000, 128>}, {transform_indices = @transform_1, window_bounds = array<i64: 1000, 2>}, {transform_indices = @transform_2, window_bounds = array<i64: 1000, 128>}, {transform_indices = @transform_3, window_bounds = array<i64: 1000, 128>}]} {
    %get3A = arith.constant 0 : index
    %get3A_0 = arith.constant 0 : index
    %get3A_1 = arith.constant 0 : index
    %get3A_2 = vector.load %arg1[%get3A, %get3A_0, %get3A_1] : memref<2x1000x128xf32, #tpu.memory_space<vmem>>, vector<1x1000x128xf32>
    %get3A_3 = vector.shape_cast %get3A_2 : vector<1x1000x128xf32> to vector<1000x128xf32>
    %get3A_4 = arith.constant 1 : index
    %get3A_5 = arith.constant 0 : index
    %get3A_6 = arith.constant 0 : index
    %get3A_7 = vector.load %arg1[%get3A_4, %get3A_5, %get3A_6] : memref<2x1000x128xf32, #tpu.memory_space<vmem>>, vector<1x1000x128xf32>
    %get3A_8 = vector.shape_cast %get3A_7 : vector<1x1000x128xf32> to vector<1000x128xf32>
    %add3A = arith.addf %get3A_3, %get3A_8 : vector<1000x128xf32>
    %get3A_9 = arith.constant 0 : index
    %get3A_10 = arith.constant 0 : index
    %get3A_11 = vector.load %arg2[%get3A_9, %get3A_10] : memref<1000x2xf32, #tpu.memory_space<vmem>>, vector<1000x2xf32>
    %slice3A = vector.extract_strided_slice %get3A_11 {offsets = [0, 0], sizes = [1000, 1], strides = [1, 1]} : vector<1000x2xf32> to vector<1000x1xf32>
    %slice3A_12 = vector.extract_strided_slice %get3A_11 {offsets = [0, 1], sizes = [1000, 1], strides = [1, 1]} : vector<1000x2xf32> to vector<1000x1xf32>
    %add3A_13 = arith.addf %slice3A, %slice3A_12 : vector<1000x1xf32>
    %max3A = arith.constant 1.000000e+00 : f32
    %max3A_14 = vector.broadcast %max3A : f32 to vector<1000x1xf32>
    %max3A_15 = arith.maximumf %add3A_13, %max3A_14 : vector<1000x1xf32>
    %div3A = arith.constant 1.000000e+00 : f32
    %div3A_16 = vector.broadcast %div3A : f32 to vector<1000x1xf32>
    %div3A_17 = arith.divf %div3A_16, %max3A_15 : vector<1000x1xf32>
    %mul3A = vector.broadcast %div3A_17 : vector<1000x1xf32> to vector<1000x128xf32>
    %mul3A_18 = arith.mulf %add3A, %mul3A : vector<1000x128xf32>
    %get3A_19 = arith.constant 0 : index
    %get3A_20 = arith.constant 0 : index
    %get3A_21 = vector.load %arg3[%get3A_19, %get3A_20] : memref<1000x128xf32, #tpu.memory_space<vmem>>, vector<1000x128xf32>
    %add3A_22 = arith.addf %mul3A_18, %get3A_21 : vector<1000x128xf32>
    %max3A_23 = arith.constant 0.000000e+00 : f32
    %max3A_24 = vector.broadcast %max3A_23 : f32 to vector<1000x128xf32>
    %max3A_25 = arith.maximumf %add3A_22, %max3A_24 : vector<1000x128xf32>
    %swap3A = arith.constant 0 : index
    %swap3A_26 = arith.constant 0 : index
    %swap3A_27 = vector.load %arg4[%swap3A, %swap3A_26] : memref<1000x128xf32, #tpu.memory_space<vmem>>, vector<1000x128xf32>
    tpu.vector_store %arg4[%swap3A, %swap3A_26], %max3A_25 {strides = array<i32>} : memref<1000x128xf32, #tpu.memory_space<vmem>>, vector<1000x128xf32>,
    return
  }
  func.func @transform_0(%arg0: i32) -> (i32, i32, i32) {
    %c0_i32 = arith.constant 0 : i32
    %c0_i32_0 = arith.constant 0 : i32
    %c0_i32_1 = arith.constant 0 : i32
    return %c0_i32, %arg0, %c0_i32_0 : i32, i32, i32
  }
  func.func @transform_1(%arg0: i32) -> (i32, i32) {
    %c0_i32 = arith.constant 0 : i32
    %c0_i32_0 = arith.constant 0 : i32
    return %arg0, %c0_i32 : i32, i32
  }
  func.func @transform_2(%arg0: i32) -> (i32, i32) {
    %c0_i32 = arith.constant 0 : i32
    %c0_i32_0 = arith.constant 0 : i32
    return %arg0, %c0_i32 : i32, i32
  }
  func.func @transform_3(%arg0: i32) -> (i32, i32) {
    %c0_i32 = arith.constant 0 : i32
    %c0_i32_0 = arith.constant 0 : i32
    return %arg0, %c0_i32 : i32, i32
  }
}

</mosaic_0001>

<sc_bundles>
// kernel: closed_call.26.cloned.1.call-start
scs
__scs_entry_jumppad:
0x0: {  	(pc) =	sbr.rel $0x88, $3  }
0x1: {  	(tag) =	ssettag $0x0;
	lr =	simm.s32 $0x1  }
0x2: {  	[smem:$0x3F99] =	sst lr;
	_ =	strace $0xD0000000  }
0x3: {  	_ = 	snop  }
0x4: {  	_ = 	snop  }
0x5: {  	_ = 	snop  }
0x6: {  	_ = 	snop  }
0x7: {  	_ = 	snop  }
__scs_overlays_trampoline_lowered:
0x8: {  	[smem:$0x3FA8] =	sst s0  }
0x9: {  	[smem:$0x3FA9] =	sst s1  }
0xa: {  	[smem:$0x3FAA] =	sst s2  }
0xb: {  	[smem:$0x3FAB] =	sst s3  }
0xc: {  	[smem:$0x3FAC] =	sst s4  }
0xd: {  	[smem:$0x3FAD] =	sst s5  }
0xe: {  	[smem:$0x3FAE] =	sst s6  }
0xf: {  	[smem:$0x3FAF] =	sst s7  }
0x10: {  	[smem:$0x3FB0] =	sst s8  }
0x11: {  	[smem:$0x3FB1] =	sst s9;
	s0 =	simm.s32 @!p0 $0x0  }
0x12: {  	s1 =	sld [smem:$0x3F97];
	s0 =	simm.s32 @p0 $0x1  }
0x13: {  	[smem:$0x3FB2] =	sst s0;
	s0 =	simm.s32 @!p1 $0x0  }
0x14: {  	s2 =	sld [smem:$0x3F96];
	s0 =	simm.s32 @p1 $0x1  }
0x15: {  	[smem:$0x3FB3] =	sst s0;
	s0 =	simm.s32 @!p2 $0x0  }
0x16: {  	s3 =	sld [smem:$0x3FDB];
	s0 =	simm.s32 @p2 $0x1  }
0x17: {  	s4 =	simm.s32 $0x1BF5;
	[smem:$0x3FB5] =	sst s0  }
0x18: {  	s0 =	sld [smem:$0x3F98];
	_ =	swait.ge [sflag:s4], $0x0  }
0x19: {  	s7 =	sld [smem:$0x3F99]  }
0x1a: {  	s8 =	sadd.s32 $0xFFFFE003, lr  }
0x1b: {  	s9 =	sadd.s32 $0xFFFFFEF7, lr;
	s5 =	simm.s32 $0xFFFFFFFF;
	p2 =	slt.u32 s8, $0xFFFFF086  }
0x1c: {  	p1 =	slt.u32 s9, $0xF7A;
	s5 =	simm.s32 @!p2 $0x0  }
0x1d: {  	s5 =	simm.s32 @p1 $0x1;
	p0 =	seq.s32 s7, s2  }
0x1e: {  	s7 =	smul.u32 @!p0 $0xF7A, s2;
	p2 =	seq.s32 @!p0 s5, $0x0  }
0x1f: {  	s9 =	smul.u32 $0xF7A, s1;
	s8 =	simm.s32 @!p0 $0x1BF5;
	p2 =	por !p2, p0  }
0x20: {  	[sflag:s8] =	ssyncset.s32 @!p0 $0xFFFFF086;
	s6 =	sadd.s32 @!p0 s3, s7;
	s7 =	simm.s32 @!p0 $0x108  }
0x21: {  	s3 =	sadd.s32 s3, s9;
	s6 =	sadd.s32 @!p0 $0x88, s6;
	s7 =	simm.s32 @p2 $0x1082  }
0x22: {  	[simem:s7], [sflag:s8] =	dma.local @!p0 [hbm:s6], $0xF7A  }
0x23: {  	s9 =	sor.u32 $0xD0000000, s2;
	s6 =	simm.s32 $0x108;
	_ =	swait.ge @!p0 [sflag:s8], $0x0  }
0x24: {  	s3 =	sadd.s32 $0x88, s3;
	s6 =	simm.s32 @!p1 $0x1082;
	[sflag:s4] =	ssyncset.s32 $0xFFFFF086  }
0x25: {  	[simem:s6], [sflag:s4] =	dma.local [hbm:s3], $0xF7A  }
0x26: {  	[smem:$0x3F99] =	sst s1;
	(tag) =	ssettag s2;
	_ =	strace s9  }
0x27: {  	s1 =	sld [smem:$0x3FA9]  }
0x28: {  	s2 =	sld [smem:$0x3FAA]  }
0x29: {  	s4 =	sld [smem:$0x3FAC]  }
0x2a: {  	p0 =	seq.s32 s5, $0x0;
	s5 =	sld [smem:$0x3FAD]  }
0x2b: {  	s6 =	sld [smem:$0x3FAE]  }
0x2c: {  	s7 =	sld [smem:$0x3FAF]  }
0x2d: {  	s3 =	simm.s32 $0x108;
	s8 =	sld [smem:$0x3FB0]  }
0x2e: {  	s3 =	simm.s32 @!p0 $0x1082;
	s9 =	sld [smem:$0x3FB1]  }
0x2f: {  	lr =	sadd.s32 s0, s3;
	s0 =	sld [smem:$0x3FA8]  }
0x30: {  	s3 =	sld [smem:$0x3FAB]  }
0x31: {  	[smem:$0x3FB4] =	sst s10  }
0x32: {  	s10 =	sld [smem:$0x3FB2];
	_ =	sdelay $0x3  }
0x33: {  	p0 =	seq.s32 s10, $0x1;
	s10 =	sld [smem:$0x3FB4];
	_ =	sdelay $0x3  }
0x34: {  	[smem:$0x3FB4] =	sst s10  }
0x35: {  	s10 =	sld [smem:$0x3FB3];
	_ =	sdelay $0x3  }
0x36: {  	p1 =	seq.s32 s10, $0x1;
	s10 =	sld [smem:$0x3FB4];
	_ =	sdelay $0x3  }
0x37: {  	[smem:$0x3FB4] =	sst s10  }
0x38: {  	s10 =	sld [smem:$0x3FB5]  }
0x39: {  	_ = 	snop;
	(pc) =	sbr.ind lr, $3  }
0x3a: {  	_ = 	snop  }
0x3b: {  	_ = 	snop  }
0x3c: {  	p2 =	seq.s32 s10, $0x1;
	s10 =	sld [smem:$0x3FB4]  }
0x3d: {  	_ =	shalt  }
0x3e: {  	_ =	shalt  }
0x3f: {  	_ =	shalt  }
0x40: {  	_ =	shalt  }
0x41: {  	_ =	shalt  }
0x42: {  	_ =	shalt  }
0x43: {  	_ =	shalt  }
0x44: {  	_ =	shalt  }
0x45: {  	_ =	shalt  }
0x46: {  	_ =	shalt  }
0x47: {  	_ =	shalt  }
0x48: {  	_ =	shalt  }
0x49: {  	_ =	shalt  }
0x4a: {  	_ =	shalt  }
0x4b: {  	_ =	shalt  }
0x4c: {  	_ =	shalt  }
0x4d: {  	_ =	shalt  }
0x4e: {  	_ =	shalt  }
0x4f: {  	_ =	shalt  }
0x50: {  	_ =	shalt  }
0x51: {  	_ =	shalt  }
0x52: {  	_ =	shalt  }
0x53: {  	_ =	shalt  }
0x54: {  	_ =	shalt  }
0x55: {  	_ =	shalt  }
0x56: {  	_ =	shalt  }
0x57: {  	_ =	shalt  }
0x58: {  	_ =	shalt  }
0x59: {  	_ =	shalt  }
0x5a: {  	_ =	shalt  }
0x5b: {  	_ =	shalt  }
0x5c: {  	_ =	shalt  }
0x5d: {  	_ =	shalt  }
0x5e: {  	_ =	shalt  }
0x5f: {  	_ =	shalt  }
0x60: {  	_ =	shalt  }
0x61: {  	_ =	shalt  }
0x62: {  	_ =	shalt  }
0x63: {  	_ =	shalt  }
0x64: {  	_ =	shalt  }
0x65: {  	_ =	shalt  }
0x66: {  	_ =	shalt  }
0x67: {  	_ =	shalt  }
0x68: {  	_ =	shalt  }
0x69: {  	_ =	shalt  }
0x6a: {  	_ =	shalt  }
0x6b: {  	_ =	shalt  }
0x6c: {  	_ =	shalt  }
0x6d: {  	_ =	shalt  }
0x6e: {  	_ =	shalt  }
0x6f: {  	_ =	shalt  }
0x70: {  	_ =	shalt  }
0x71: {  	_ =	shalt  }
0x72: {  	_ =	shalt  }
0x73: {  	_ =	shalt  }
0x74: {  	_ =	shalt  }
0x75: {  	_ =	shalt  }
0x76: {  	_ =	shalt  }
0x77: {  	_ =	shalt  }
0x78: {  	_ =	shalt  }
0x79: {  	_ =	shalt  }
0x7a: {  	_ =	shalt  }
0x7b: {  	_ =	shalt  }
0x7c: {  	_ =	shalt  }
0x7d: {  	_ =	shalt  }
0x7e: {  	_ =	shalt  }
0x7f: {  	_ =	shalt  }
0x80: {  	_ =	shalt  }
0x81: {  	_ =	shalt  }
0x82: {  	_ =	shalt  }
0x83: {  	_ =	shalt  }
0x84: {  	_ =	shalt  }
0x85: {  	_ =	shalt  }
0x86: {  	_ =	shalt  }
0x87: {  	_ =	shalt  }
.Lfunc_end0:
.L_simem_size_0:
called_computation_lowered:
.L_overlay_start_0:
0x88: {  	s2 =	sld [smem:$0x3FD9]  }
0x89: {  	s3 =	sld [smem:$0x3FFE];
	_ =	sdelay $0x1  }
0x8a: {  	s1 =	srdreg.scid  }
0x8b: {  	s0 =	sand.u32 $0x1, s1  }
0x8c: {  	s17 =	sshll.u32 s0, $0xA;
	s2 =	sadd.s32 s3, s2  }
0x8d: {  	s2 =	sadd.s32 s2, s17  }
0x8e: {  	[smem:$0x3FC0] =	sst s2  }
0x8f: {  	_ = 	snop  }
0x90: {  	s2 =	sld [smem:$0x3FD0];
	(tm) =	ssettm $0x1  }
0x91: {  	s18 =	sld [smem:$0x3FFB];
	_ =	sdelay $0x3  }
0x92: {  	_ =	strace s18  }
0x93: {  	s3 =	sld [smem:$0x3FFC];
	_ =	sdelay $0x3  }
0x94: {  	_ =	strace s3  }
0x95: {  	s3 =	sld [smem:$0x3FFD];
	_ =	sdelay $0x3  }
0x96: {  	_ =	strace s3  }
0x97: {  	_ =	strace $0x8FFFFFFF  }
0x98: {  	s19 =	sld [smem:$0x3FDB];
	_ =	sdelay $0x1  }
0x99: {  	s4 =	simm.s32 $_scs_section_size  }
0x9a: {  	s5 =	simm.s32 $_size__tile_overlayer_lowered;
	s6 =	simm.s32 $_tile_overlayer_lowered  }
0x9b: {  	s22 =	simm.s32 $0x1BFF;
	s21 =	sshll.u32 s6, $0x1;
	s3 =	sadd.s32 s4, s19  }
0x9c: {  	s7 =	simm.s32 $0x0;
	s20 =	sshll.u32 s5, $0x1;
	s5 =	sadd.s32 s21, s3  }
0x9d: {  	[timem:s7], [sflag:s22] =	dma.local [hbm:s5], s20  }
0x9e: {  	_ =	swait.ge [sflag:s22], s20  }
0x9f: {  	s4 =	ssub.s32 $0x0, s20;
	[sflag:s22] =	ssyncset.done $0x0  }
0xa0: {  	[sflag:s22] =	ssyncadd.s32 s4;
	_ =	sdelay $0x1  }
0xa1: {  	s23 =	simm.s32 $0x1B8B  }
0xa2: {  	_ =	swait.ge [sflag:s23], $0x1  }
0xa3: {  	[sflag:s23] =	ssyncset.done $0x0  }
0xa4: {  	s25 =	simm.s32 $0x1B8E;
	s24 =	sld [smem:$0x3FFE];
	[sflag:s23] =	ssyncadd.s32 $0xFFFFFFFF  }
0xa5: {  	s26 =	simm.s32 $execute0_lowered;
	[smem:$0x3FD2] =	sst s25  }
0xa6: {  	s5 =	sshll.u32 s26, $0x1;
	_ =	strace $0x80000046;
	[dreg:$0x1] =	wrdreg $0xFFFFFFFF  }
0xa7: {  	s28 =	simm.s32 $_size_execute0_lowered;
	s3 =	sadd.s32 s3, s5;
	[dreg:$0x0] =	wrdreg $0x0  }
0xa8: {  	s5 =	sshll.u32 s28, $0x1;
	[dreg:$0x2] =	wrdreg s3  }
0xa9: {  	[dreg:$0x3] =	wrdreg s5  }
0xaa: {  	[dreg:$0x4] =	wrdreg $0xC0  }
0xab: {  	_ =	task [dreg:s7], $0x5FFFF  }
0xac: {  	[dreg:$0x1] =	wrdreg $0xFFFFFFFF  }
0xad: {  	[dreg:$0x0] =	wrdreg $0x60  }
0xae: {  	[dreg:$0x2] =	wrdreg s2  }
0xaf: {  	[dreg:$0x3] =	wrdreg s24  }
0xb0: {  	[dreg:$0x4] =	wrdreg $0xA5800  }
0xb1: {  	[dreg:$0x5] =	wrdreg $0x1E5800  }
0xb2: {  	[dreg:$0x6] =	wrdreg $0x9  }
0xb3: {  	_ =	task.clear_ibuf [dreg:s7], $0x7FFFF;
	_ =	strace $0x90000046  }
0xb4: {  	s29 =	simm.s32 $0x9;
	_ =	strace $0x80000048  }
0xb5: {  	_ =	swait.ge [sflag:s29], $0x1  }
0xb6: {  	[sflag:s29] =	ssyncadd.s32 $0xFFFFFFFF  }
0xb7: {  	_ =	strace $0x90000048  }
0xb8: {  	_ =	sfence  }
0xb9: {  	s30 =	sld [smem:$0x0];
	_ =	sdelay $0x2  }
0xba: {  	s31 =	sshll.u32 s1, $0xD;
	s1 =	sshrl.u32 s1, $0x2  }
0xbb: {  	s3 =	sand.u32 $0x4000, s31;
	s1 =	sadd.s32 s1, s30  }
0xbc: {  	s0 =	sor.u32 s3, s0;
	s1 =	sshll.u32 s1, $0x11  }
0xbd: {  	s0 =	sor.u32 s1, s0  }
0xbe: {  	s0 =	sadd.s32 $0x8F2B, s0  }
0xbf: {  	[sflag:s0] =	ssyncadd.remote.s32 $0x1  }
0xc0: {  	_ =	sfence.sel $0xFFFF  }
0xc1: {  	[dreg:$0x0] =	wrdreg $0xFFFFFFFF;
	(pc) =	sbr.abs _section_cstart, $3  }
0xc2: {  	[dreg:$0x1] =	wrdreg $0xFFFFFFFF  }
0xc3: {  	_ =	task.clear_ibuf [dreg:s7], $0x2FFFF;
	_ =	strace $0x9FFFFFFF  }
0xc4: {  	(tm) =	ssettm $0x7FFFFFFF  }
0xc5: {  	_ =	shalt  }
tec
execute0_lowered:
.L_overlay_start_1:
0x0: {  	(tag) =	ssettag $0x1  }
0x1: {  	s0 =	rddreg [dreg:$0x0]  }
0x2: {  	s2 =	rddreg [dreg:$0x1]  }
0x3: {  	s1 =	rddreg [dreg:$0x2];
	s5 =	stileid.u32  }
0x4: {  	s4 =	srdreg.scid;
	s3 =	rddreg [dreg:$0x3];
	s28 =	simm.s32 $0x3  }
0x5: {  	s29 =	simm.s32 $0x13;
	s31 =	simm.s32 $0xF;
	s6 =	smul.u32 $0x14000, s5  }
0x6: {  	s7 =	sand.u32 $0x1, s4;
	s4 =	simm.s32 $0x0;
	s10 =	sadd.s32 $0x3200, s2  }
0x7: {  	s11 =	sadd.s32 $0x2B200, s2;
	s25 =	sshll.u32 s5, $0x1;
	s13 =	smul.u32 $0x50000, s5  }
0x8: {  	s26 =	sshll.u32 s5, $0x6;
	p0 =	sne.s32 s5, $0x0;
	s5 =	simm.s32 $0x14  }
0x9: {  	s8 =	smul.u32 $0x140000, s7;
	[smem:$0x7FF] =	sst s4;
	s12 =	ssub.s32 $0x2, s7  }
0xa: {  	s14 =	sshll.u32 s7, $0x4;
	_ =	strace $0x80000047;
	s9 =	sshrl.u32 s6, $0x3  }
0xb: {  	[dreg:$0xa] =	wrdreg s11;
	s11 =	sor.u32 s7, s25;
	s15 =	sshrl.u32 s12, $0x1  }
0xc: {  	s13 =	sshrl.u32 s13, $0x2;
	s7 =	smul.u32 $0xA000, s7;
	s8 =	sadd.s32 s6, s8  }
0xd: {  	s9 =	sadd.s32 s9, s2;
	s11 =	smul.u32 $0xA000, s11;
	s12 =	ssub.s32 s12, s15  }
0xe: {  	s13 =	sadd.s32 s13, s1;
	s8 =	sshrl.u32 s8, $0x3;
	s9 =	sadd.s32 $0x2B800, s9  }
0xf: {  	s6 =	sadd.s32 s7, s6;
	s8 =	sadd.s32 s8, s2;
	s2 =	sadd.s32 s14, s2  }
0x10: {  	s11 =	sshrl.u32 s11, $0x3;
	[dreg:$0xb] =	wrdreg s9;
	s14 =	sor.u32 $0x1C15, s26  }
0x11: {  	s17 =	sor.u32 $0x900, s6;
	s19 =	sor.u32 $0x800, s6;
	s22 =	sor.u32 $0x700, s6  }
0x12: {  	s24 =	sor.u32 $0x600, s6;
	s6 =	sor.u32 $0x500, s6;
	s11 =	sadd.s32 s10, s11  }
0x13: {  	s7 =	sshrl.u32 s17, $0x3;
	s8 =	sadd.s32 $0x54200, s8;
	s20 =	sshrl.u32 s19, $0x3  }
0x14: {  	s23 =	sshrl.u32 s22, $0x3;
	s6 =	sshrl.u32 s6, $0x3;
	[dreg:$0xd] =	wrdreg s14  }
0x15: {  	s2 =	sadd.s32 $0x53800, s2;
	s17 =	simm.s32 $0x1;
	[dreg:$0xc] =	wrdreg s11  }
0x16: {  	s19 =	simm.s32 $0xC;
	s30 =	sadd.s32 $0x20, s11;
	[dreg:$0x12] =	wrdreg s8  }
0x17: {  	s15 =	sadd.s32 $0x40, s11;
	s16 =	sadd.s32 $0x60, s11;
	[dreg:$0x13] =	wrdreg s2  }
0x18: {  	s18 =	sadd.s32 $0x80, s11;
	s7 =	sadd.s32 s7, s10;
	[dreg:$0xe] =	wrdreg s30  }
0x19: {  	s21 =	sadd.s32 s20, s10;
	s8 =	sshrl.u32 s24, $0x3;
	[dreg:$0xf] =	wrdreg s15  }
0x1a: {  	s26 =	sadd.s32 s6, s10;
	s2 =	simm.s32 $0x4;
	[dreg:$0x10] =	wrdreg s16  }
0x1b: {  	s11 =	simm.s32 $0x5;
	s20 =	simm.s32 $0x11;
	[dreg:$0x11] =	wrdreg s18  }
0x1c: {  	s24 =	simm.s32 $0x12;
	s6 =	simm.s32 $0x0;
	[dreg:$0x5] =	wrdreg s7  }
0x1d: {  	[dreg:$0x6] =	wrdreg s21;
	s7 =	sadd.s32 s23, s10;
	s25 =	sadd.s32 s8, s10  }
0x1e: {  	s30 =	smax.u32 s12, $0x1;
	[dreg:$0x9] =	wrdreg s26;
	s12 =	sshrl.u32 s13, $0x3  }
0x1f: {  	s23 =	simm.s32 $0x40;
	s10 =	simm.s32 $0xA500;
	[dreg:$0x7] =	wrdreg s7  }
0x20: {  	s8 =	simm.s32 $0xB;
	s18 =	simm.s32 $0x10;
	[dreg:$0x8] =	wrdreg s25  }
0x21: {  	s21 =	simm.s32 $0xD;
	s26 =	simm.s32 $0xE;
	[dreg:$0x14] =	wrdreg s30  }
0x22: {  	v0 =	vimm.f32 $1.000000000e+00;
	s7 =	simm.s32 $0x15;
	s25 =	simm.s32 $0x2;
	[dreg:$0x15] =	wrdreg s12  }
.LBB2_1:
0x23: {  	[tilespmem:$0xA500] =	vst v0  }
0x24: {  	[tilespmem:$0xA510] =	vst v0  }
0x25: {  	[dreg:$0x16] =	wrdreg s6;
	[tilespmem:$0xA520] =	vst v0  }
0x26: {  	[tilespmem:$0xA530] =	vst v0;
	s9 =	rddreg [dreg:$0xb]  }
0x27: {  	[spmem:s12], [sflag:s14] =	dma.local [hbm:s9], $0x2800  }
0x28: {  	s6 =	sshrl.u32 @!p0 s3, $0x3;
	_ =	swait.ge [sflag:s7], $0x2800  }
0x29: {  	[dreg:$0x17] =	wrdreg s6;
	[sflag:s7] =	ssyncset.done $0x0  }
0x2a: {  	s9 =	rddreg [dreg:$0xa];
	[sflag:s7] =	ssyncadd.s32 $0xFFFFD800  }
0x2b: {  	[spmem:s6], [sflag:s14] =	dma.local @!p0 [hbm:s9], $0x500  }
0x2c: {  	s9 =	simm.s32 @!p0 $0x15  }
0x2d: {  	_ =	swait.ge @!p0 [sflag:s9], $0x500  }
0x2e: {  	[sflag:s9] =	ssyncset.done @!p0 $0x0  }
0x2f: {  	[sflag:s9] =	ssyncadd.s32 @!p0 $0xFFFFFB00  }
0x30: {  	[bflag:$0x0] =	sbarrier.arrive $0xFFFF  }
0x31: {  	s7 =	rddreg [dreg:$0xc]  }
0x32: {  	[tilespmem:s4], [sflag:$0x1] =	stream.linear.gather [hbm4b:s7+s4], $0x100, $0x38;
	[tilespmem:$0x1E800] =	vst v63  }
0x33: {  	s12 =	rddreg [dreg:$0xe];
	s7 =	simm.s32 $0x100  }
0x34: {  	[tilespmem:s7], [sflag:$0x2] =	stream.linear.gather [hbm4b:s12+s4], $0x100, $0x38;
	[tilespmem:$0x1E800] =	vst v63  }
0x35: {  	s13 =	rddreg [dreg:$0xf];
	s12 =	simm.s32 $0x200  }
0x36: {  	[tilespmem:s12], [sflag:$0x3] =	stream.linear.gather [hbm4b:s13+s4], $0x100, $0x38;
	[tilespmem:$0x1E800] =	vst v63  }
0x37: {  	s15 =	simm.s32 $0x300;
	s14 =	rddreg [dreg:$0x10]  }
0x38: {  	[tilespmem:s15], [sflag:$0x4] =	stream.linear.gather [hbm4b:s14+s4], $0x100, $0x38;
	[tilespmem:$0x1E800] =	vst v63  }
0x39: {  	s16 =	rddreg [dreg:$0x11];
	s14 =	simm.s32 $0x400  }
0x3a: {  	[tilespmem:s14], [sflag:$0x5] =	stream.linear.gather [hbm4b:s16+s4], $0x100, $0x38;
	[tilespmem:$0x1E800] =	vst v63  }
0x3b: {  	_ =	swait.ge [sflag:s17], $0x100  }
0x3c: {  	[sflag:s17] =	ssyncset.done $0x0  }
0x3d: {  	s16 =	simm.s32 $0x500;
	[sflag:s17] =	ssyncadd.s32 $0xFFFFFF00  }
0x3e: {  	[tilespmem:s16], [sflag:$0x6] =	stream.indirect.gather [hbm4b:s0+s23], $0x80, s4, s23, $0xb8;
	[tilespmem:$0x1E800] =	vst v63  }
0x3f: {  	_ =	swait.ge [sflag:s25], $0x100  }
0x40: {  	[sflag:s25] =	ssyncset.done $0x0  }
0x41: {  	s22 =	simm.s32 $0x2500;
	[sflag:s25] =	ssyncadd.s32 $0xFFFFFF00  }
0x42: {  	[tilespmem:s22], [sflag:$0x7] =	stream.indirect.gather [hbm4b:s0+s23], $0x80, s7, s23, $0xb8;
	[tilespmem:$0x1E800] =	vst v63  }
0x43: {  	_ =	swait.ge [sflag:s28], $0x100  }
0x44: {  	[sflag:s28] =	ssyncset.done $0x0  }
0x45: {  	s22 =	simm.s32 $0x4500;
	[sflag:s28] =	ssyncadd.s32 $0xFFFFFF00  }
0x46: {  	[tilespmem:s22], [sflag:$0x8] =	stream.indirect.gather [hbm4b:s0+s23], $0x80, s12, s23, $0xb8;
	[tilespmem:$0x1E800] =	vst v63  }
0x47: {  	_ =	swait.ge [sflag:s2], $0x100  }
0x48: {  	[sflag:s2] =	ssyncset.done $0x0  }
0x49: {  	s6 =	simm.s32 $0x6500;
	[sflag:s2] =	ssyncadd.s32 $0xFFFFFF00  }
0x4a: {  	[tilespmem:s6], [sflag:$0x9] =	stream.indirect.gather [hbm4b:s0+s23], $0x80, s15, s23, $0xb8;
	[tilespmem:$0x1E800] =	vst v63  }
0x4b: {  	_ =	swait.ge [sflag:s11], $0x100  }
0x4c: {  	[sflag:s11] =	ssyncset.done $0x0  }
0x4d: {  	s30 =	simm.s32 $0x6;
	s9 =	simm.s32 $0x8500;
	[sflag:s11] =	ssyncadd.s32 $0xFFFFFF00  }
0x4e: {  	[tilespmem:s9], [sflag:$0xA] =	stream.indirect.gather [hbm4b:s0+s23], $0x80, s14, s23, $0xb8;
	[tilespmem:$0x1E800] =	vst v63  }
0x4f: {  	_ =	swait.ge [sflag:s30], $0x2000  }
0x50: {  	[sflag:s30] =	ssyncset.done $0x0  }
0x51: {  	[sflag:s30] =	ssyncadd.s32 $0xFFFFE000;
	s30 =	simm.s32 $0x80  }
0x52: {  	[spmem:s1] =	stream.indirect.scatter.add.f32 [tilespmem:s16], [sflag:$0xB], $0x80, s30, s23, $0xb8;
	[tilespmem:$0x1E800] =	vst v63  }
0x53: {  	_ = 	snop  }
0x54: {  	[spmem:s3] =	stream.indirect.scatter.add.f32 [tilespmem:s10], [sflag:$0x10], $0x1, s30, s23, $0xb8;
	[tilespmem:$0x1E800] =	vst v63  }
0x55: {  	s30 =	simm.s32 $0x7  }
0x56: {  	_ =	swait.ge [sflag:s30], $0x2000  }
0x57: {  	[sflag:s30] =	ssyncset.done $0x0  }
0x58: {  	s13 =	simm.s32 $0x2500;
	[sflag:s30] =	ssyncadd.s32 $0xFFFFE000;
	s30 =	simm.s32 $0x180  }
0x59: {  	[spmem:s1] =	stream.indirect.scatter.add.f32 [tilespmem:s13], [sflag:$0xC], $0x80, s30, s23, $0xb8;
	[tilespmem:$0x1E800] =	vst v63  }
0x5a: {  	s13 =	simm.s32 $0x8  }
0x5b: {  	[spmem:s3] =	stream.indirect.scatter.add.f32 [tilespmem:s10], [sflag:$0x11], $0x1, s30, s23, $0xb8;
	[tilespmem:$0x1E800] =	vst v63  }
0x5c: {  	_ =	swait.ge [sflag:s13], $0x2000  }
0x5d: {  	[sflag:s13] =	ssyncset.done $0x0  }
0x5e: {  	s30 =	simm.s32 $0x280;
	[sflag:s13] =	ssyncadd.s32 $0xFFFFE000  }
0x5f: {  	[spmem:s1] =	stream.indirect.scatter.add.f32 [tilespmem:s22], [sflag:$0xD], $0x80, s30, s23, $0xb8;
	[tilespmem:$0x1E800] =	vst v63  }
0x60: {  	s13 =	simm.s32 $0x9  }
0x61: {  	[spmem:s3] =	stream.indirect.scatter.add.f32 [tilespmem:s10], [sflag:$0x12], $0x1, s30, s23, $0xb8;
	[tilespmem:$0x1E800] =	vst v63  }
0x62: {  	_ =	swait.ge [sflag:s13], $0x2000  }
0x63: {  	[sflag:s13] =	ssyncset.done $0x0  }
0x64: {  	s6 =	simm.s32 $0x6500;
	s30 =	simm.s32 $0x380;
	[sflag:s13] =	ssyncadd.s32 $0xFFFFE000  }
0x65: {  	[spmem:s1] =	stream.indirect.scatter.add.f32 [tilespmem:s6], [sflag:$0xE], $0x80, s30, s23, $0xb8;
	[tilespmem:$0x1E800] =	vst v63  }
0x66: {  	s6 =	simm.s32 $0xA  }
0x67: {  	[spmem:s3] =	stream.indirect.scatter.add.f32 [tilespmem:s10], [sflag:$0x13], $0x1, s30, s23, $0xb8;
	[tilespmem:$0x1E800] =	vst v63  }
0x68: {  	_ =	swait.ge [sflag:s6], $0x2000  }
0x69: {  	[sflag:s6] =	ssyncset.done $0x0  }
0x6a: {  	[sflag:s6] =	ssyncadd.s32 $0xFFFFE000;
	s6 =	simm.s32 $0x480  }
0x6b: {  	[spmem:s1] =	stream.indirect.scatter.add.f32 [tilespmem:s9], [sflag:$0xF], $0x80, s6, s23, $0xb8;
	[tilespmem:$0x1E800] =	vst v63  }
0x6c: {  	_ = 	snop  }
0x6d: {  	[spmem:s3] =	stream.indirect.scatter.add.f32 [tilespmem:s10], [sflag:$0x14], $0x1, s6, s23, $0xb8;
	[tilespmem:$0x1E800] =	vst v63  }
0x6e: {  	_ =	swait.ge [sflag:s8], $0x2000  }
0x6f: {  	[sflag:s8] =	ssyncset.done $0x0  }
0x70: {  	[sflag:s8] =	ssyncadd.s32 $0xFFFFE000  }
0x71: {  	_ =	swait.ge [sflag:s18], $0x40  }
0x72: {  	s13 =	rddreg [dreg:$0x9];
	[sflag:s18] =	ssyncset.done $0x0  }
0x73: {  	[sflag:s18] =	ssyncadd.s32 $0xFFFFFFC0;
	s9 =	sadd.s32 $0x0, s13  }
0x74: {  	[tilespmem:s4], [sflag:$0x1] =	stream.linear.gather [hbm4b:s9+s4], $0x100, $0x38;
	[tilespmem:$0x1E800] =	vst v63  }
0x75: {  	_ =	swait.ge [sflag:s19], $0x2000  }
0x76: {  	[sflag:s19] =	ssyncset.done $0x0  }
0x77: {  	[sflag:s19] =	ssyncadd.s32 $0xFFFFE000  }
0x78: {  	_ =	swait.ge [sflag:s20], $0x40  }
0x79: {  	s6 =	rddreg [dreg:$0x8];
	[sflag:s20] =	ssyncset.done $0x0  }
0x7a: {  	[sflag:s20] =	ssyncadd.s32 $0xFFFFFFC0;
	s9 =	sadd.s32 $0x0, s6  }
0x7b: {  	[tilespmem:s7], [sflag:$0x2] =	stream.linear.gather [hbm4b:s9+s4], $0x100, $0x38;
	[tilespmem:$0x1E800] =	vst v63  }
0x7c: {  	_ =	swait.ge [sflag:s21], $0x2000  }
0x7d: {  	[sflag:s21] =	ssyncset.done $0x0  }
0x7e: {  	[sflag:s21] =	ssyncadd.s32 $0xFFFFE000  }
0x7f: {  	_ =	swait.ge [sflag:s24], $0x40  }
0x80: {  	s13 =	rddreg [dreg:$0x7];
	[sflag:s24] =	ssyncset.done $0x0  }
0x81: {  	[sflag:s24] =	ssyncadd.s32 $0xFFFFFFC0;
	s9 =	sadd.s32 $0x0, s13  }
0x82: {  	[tilespmem:s12], [sflag:$0x3] =	stream.linear.gather [hbm4b:s9+s4], $0x100, $0x38;
	[tilespmem:$0x1E800] =	vst v63  }
0x83: {  	_ =	swait.ge [sflag:s26], $0x2000  }
0x84: {  	[sflag:s26] =	ssyncset.done $0x0  }
0x85: {  	[sflag:s26] =	ssyncadd.s32 $0xFFFFE000  }
0x86: {  	_ =	swait.ge [sflag:s29], $0x40  }
0x87: {  	s6 =	rddreg [dreg:$0x6];
	[sflag:s29] =	ssyncset.done $0x0  }
0x88: {  	[sflag:s29] =	ssyncadd.s32 $0xFFFFFFC0;
	s9 =	sadd.s32 $0x0, s6  }
0x89: {  	[tilespmem:s15], [sflag:$0x4] =	stream.linear.gather [hbm4b:s9+s4], $0x100, $0x38;
	[tilespmem:$0x1E800] =	vst v63  }
0x8a: {  	_ =	swait.ge [sflag:s31], $0x2000  }
0x8b: {  	[sflag:s31] =	ssyncset.done $0x0  }
0x8c: {  	[sflag:s31] =	ssyncadd.s32 $0xFFFFE000  }
0x8d: {  	_ =	swait.ge [sflag:s5], $0x40  }
0x8e: {  	s13 =	rddreg [dreg:$0x5];
	[sflag:s5] =	ssyncset.done $0x0  }
0x8f: {  	[sflag:s5] =	ssyncadd.s32 $0xFFFFFFC0;
	s9 =	sadd.s32 $0x0, s13  }
0x90: {  	[tilespmem:s14], [sflag:$0x5] =	stream.linear.gather [hbm4b:s9+s4], $0x100, $0x38;
	[tilespmem:$0x1E800] =	vst v63  }
0x91: {  	_ =	swait.ge [sflag:s17], $0x100  }
0x92: {  	[sflag:s17] =	ssyncset.done $0x0  }
0x93: {  	[sflag:s17] =	ssyncadd.s32 $0xFFFFFF00  }
0x94: {  	[tilespmem:s16], [sflag:$0x6] =	stream.indirect.gather [hbm4b:s0+s23], $0x80, s4, s23, $0xb8;
	[tilespmem:$0x1E800] =	vst v63  }
0x95: {  	_ =	swait.ge [sflag:s25], $0x100  }
0x96: {  	[sflag:s25] =	ssyncset.done $0x0  }
0x97: {  	s17 =	simm.s32 $0x2500;
	[sflag:s25] =	ssyncadd.s32 $0xFFFFFF00  }
0x98: {  	[tilespmem:s17], [sflag:$0x7] =	stream.indirect.gather [hbm4b:s0+s23], $0x80, s7, s23, $0xb8;
	[tilespmem:$0x1E800] =	vst v63  }
0x99: {  	_ =	swait.ge [sflag:s28], $0x100  }
0x9a: {  	[sflag:s28] =	ssyncset.done $0x0  }
0x9b: {  	[sflag:s28] =	ssyncadd.s32 $0xFFFFFF00  }
0x9c: {  	[tilespmem:s22], [sflag:$0x8] =	stream.indirect.gather [hbm4b:s0+s23], $0x80, s12, s23, $0xb8;
	[tilespmem:$0x1E800] =	vst v63  }
0x9d: {  	_ =	swait.ge [sflag:s2], $0x100  }
0x9e: {  	[sflag:s2] =	ssyncset.done $0x0  }
0x9f: {  	s25 =	simm.s32 $0x6500;
	[sflag:s2] =	ssyncadd.s32 $0xFFFFFF00  }
0xa0: {  	[tilespmem:s25], [sflag:$0x9] =	stream.indirect.gather [hbm4b:s0+s23], $0x80, s15, s23, $0xb8;
	[tilespmem:$0x1E800] =	vst v63  }
0xa1: {  	s30 =	simm.s32 $0x3;
	_ =	swait.ge [sflag:s11], $0x100  }
0xa2: {  	s9 =	simm.s32 $0xA0;
	s28 =	simm.s32 $0x2;
	[sflag:s11] =	ssyncset.done $0x0  }
0xa3: {  	s2 =	simm.s32 $0x4;
	[sflag:s11] =	ssyncadd.s32 $0xFFFFFF00;
	s11 =	simm.s32 $0x5  }
.LBB2_2:
0xa4: {  	s17 =	simm.s32 $0x400;
	s14 =	simm.s32 $0x8500;
	s6 =	simm.s32 $0x6  }
0xa5: {  	[tilespmem:s14], [sflag:$0xA] =	stream.indirect.gather [hbm4b:s0+s23], $0x80, s17, s23, $0xb8;
	[tilespmem:$0x1E800] =	vst v63  }
0xa6: {  	_ =	swait.ge [sflag:s6], $0x2000  }
0xa7: {  	[sflag:s6] =	ssyncset.done $0x0  }
0xa8: {  	s7 =	simm.s32 $0x500;
	s13 =	simm.s32 $0x80;
	[sflag:s6] =	ssyncadd.s32 $0xFFFFE000  }
0xa9: {  	[spmem:s1] =	stream.indirect.scatter.add.f32 [tilespmem:s7], [sflag:$0xB], $0x80, s13, s23, $0xb8;
	[tilespmem:$0x1E800] =	vst v63  }
0xaa: {  	s15 =	simm.s32 $0x7  }
0xab: {  	[spmem:s3] =	stream.indirect.scatter.add.f32 [tilespmem:s10], [sflag:$0x10], $0x1, s13, s23, $0xb8;
	[tilespmem:$0x1E800] =	vst v63  }
0xac: {  	_ =	swait.ge [sflag:s15], $0x2000  }
0xad: {  	[sflag:s15] =	ssyncset.done $0x0  }
0xae: {  	s22 =	simm.s32 $0x2500;
	s16 =	simm.s32 $0x180;
	[sflag:s15] =	ssyncadd.s32 $0xFFFFE000  }
0xaf: {  	[spmem:s1] =	stream.indirect.scatter.add.f32 [tilespmem:s22], [sflag:$0xC], $0x80, s16, s23, $0xb8;
	[tilespmem:$0x1E800] =	vst v63  }
0xb0: {  	s25 =	simm.s32 $0x8  }
0xb1: {  	[spmem:s3] =	stream.indirect.scatter.add.f32 [tilespmem:s10], [sflag:$0x11], $0x1, s16, s23, $0xb8;
	[tilespmem:$0x1E800] =	vst v63  }
0xb2: {  	_ =	swait.ge [sflag:s25], $0x2000  }
0xb3: {  	[sflag:s25] =	ssyncset.done $0x0  }
0xb4: {  	s13 =	simm.s32 $0x280;
	[sflag:s25] =	ssyncadd.s32 $0xFFFFE000;
	s25 =	simm.s32 $0x4500  }
0xb5: {  	[spmem:s1] =	stream.indirect.scatter.add.f32 [tilespmem:s25], [sflag:$0xD], $0x80, s13, s23, $0xb8;
	[tilespmem:$0x1E800] =	vst v63  }
0xb6: {  	s15 =	simm.s32 $0x9  }
0xb7: {  	[spmem:s3] =	stream.indirect.scatter.add.f32 [tilespmem:s10], [sflag:$0x12], $0x1, s13, s23, $0xb8;
	[tilespmem:$0x1E800] =	vst v63  }
0xb8: {  	_ =	swait.ge [sflag:s15], $0x2000  }
0xb9: {  	[sflag:s15] =	ssyncset.done $0x0  }
0xba: {  	s6 =	simm.s32 $0x6500;
	s13 =	simm.s32 $0x380;
	[sflag:s15] =	ssyncadd.s32 $0xFFFFE000  }
0xbb: {  	[spmem:s1] =	stream.indirect.scatter.add.f32 [tilespmem:s6], [sflag:$0xE], $0x80, s13, s23, $0xb8;
	[tilespmem:$0x1E800] =	vst v63  }
0xbc: {  	s16 =	simm.s32 $0xA  }
0xbd: {  	[spmem:s3] =	stream.indirect.scatter.add.f32 [tilespmem:s10], [sflag:$0x13], $0x1, s13, s23, $0xb8;
	[tilespmem:$0x1E800] =	vst v63  }
0xbe: {  	_ =	swait.ge [sflag:s16], $0x2000  }
0xbf: {  	[sflag:s16] =	ssyncset.done $0x0  }
0xc0: {  	s15 =	simm.s32 $0x480;
	[sflag:s16] =	ssyncadd.s32 $0xFFFFE000  }
0xc1: {  	[spmem:s1] =	stream.indirect.scatter.add.f32 [tilespmem:s14], [sflag:$0xF], $0x80, s15, s23, $0xb8;
	[tilespmem:$0x1E800] =	vst v63  }
0xc2: {  	_ = 	snop  }
0xc3: {  	[spmem:s3] =	stream.indirect.scatter.add.f32 [tilespmem:s10], [sflag:$0x14], $0x1, s15, s23, $0xb8;
	[tilespmem:$0x1E800] =	vst v63  }
0xc4: {  	_ =	swait.ge [sflag:s8], $0x2000  }
0xc5: {  	[sflag:s8] =	ssyncset.done $0x0  }
0xc6: {  	[sflag:s8] =	ssyncadd.s32 $0xFFFFE000  }
0xc7: {  	_ =	swait.ge [sflag:s18], $0x40  }
0xc8: {  	s12 =	smov.u32 s9;
	s16 =	rddreg [dreg:$0x9];
	[sflag:s18] =	ssyncset.done $0x0  }
0xc9: {  	[sflag:s18] =	ssyncadd.s32 $0xFFFFFFC0;
	s14 =	sadd.s32 s12, s16  }
0xca: {  	[tilespmem:s4], [sflag:$0x1] =	stream.linear.gather [hbm4b:s14+s4], $0x100, $0x38;
	[tilespmem:$0x1E800] =	vst v63  }
0xcb: {  	_ =	swait.ge [sflag:s19], $0x2000  }
0xcc: {  	[sflag:s19] =	ssyncset.done $0x0  }
0xcd: {  	[sflag:s19] =	ssyncadd.s32 $0xFFFFE000  }
0xce: {  	_ =	swait.ge [sflag:s20], $0x40  }
0xcf: {  	s13 =	rddreg [dreg:$0x8];
	[sflag:s20] =	ssyncset.done $0x0  }
0xd0: {  	[sflag:s20] =	ssyncadd.s32 $0xFFFFFFC0;
	s14 =	sadd.s32 s12, s13;
	s13 =	simm.s32 $0x100  }
0xd1: {  	[tilespmem:s13], [sflag:$0x2] =	stream.linear.gather [hbm4b:s14+s4], $0x100, $0x38;
	[tilespmem:$0x1E800] =	vst v63  }
0xd2: {  	_ =	swait.ge [sflag:s21], $0x2000  }
0xd3: {  	[sflag:s21] =	ssyncset.done $0x0  }
0xd4: {  	[sflag:s21] =	ssyncadd.s32 $0xFFFFE000  }
0xd5: {  	_ =	swait.ge [sflag:s24], $0x40  }
0xd6: {  	s15 =	rddreg [dreg:$0x7];
	[sflag:s24] =	ssyncset.done $0x0  }
0xd7: {  	[sflag:s24] =	ssyncadd.s32 $0xFFFFFFC0;
	s14 =	sadd.s32 s12, s15;
	s15 =	simm.s32 $0x200  }
0xd8: {  	[tilespmem:s15], [sflag:$0x3] =	stream.linear.gather [hbm4b:s14+s4], $0x100, $0x38;
	[tilespmem:$0x1E800] =	vst v63  }
0xd9: {  	_ =	swait.ge [sflag:s26], $0x2000  }
0xda: {  	[sflag:s26] =	ssyncset.done $0x0  }
0xdb: {  	[sflag:s26] =	ssyncadd.s32 $0xFFFFE000  }
0xdc: {  	_ =	swait.ge [sflag:s29], $0x40  }
0xdd: {  	s16 =	rddreg [dreg:$0x6];
	[sflag:s29] =	ssyncset.done $0x0  }
0xde: {  	[sflag:s29] =	ssyncadd.s32 $0xFFFFFFC0;
	s14 =	sadd.s32 s12, s16;
	s16 =	simm.s32 $0x300  }
0xdf: {  	[tilespmem:s16], [sflag:$0x4] =	stream.linear.gather [hbm4b:s14+s4], $0x100, $0x38;
	[tilespmem:$0x1E800] =	vst v63  }
0xe0: {  	_ =	swait.ge [sflag:s31], $0x2000  }
0xe1: {  	[sflag:s31] =	ssyncset.done $0x0  }
0xe2: {  	[sflag:s31] =	ssyncadd.s32 $0xFFFFE000  }
0xe3: {  	_ =	swait.ge [sflag:s5], $0x40  }
0xe4: {  	s14 =	rddreg [dreg:$0x5];
	[sflag:s5] =	ssyncset.done $0x0  }
0xe5: {  	[sflag:s5] =	ssyncadd.s32 $0xFFFFFFC0;
	s12 =	sadd.s32 s12, s14  }
0xe6: {  	[tilespmem:s17], [sflag:$0x5] =	stream.linear.gather [hbm4b:s12+s4], $0x100, $0x38;
	[tilespmem:$0x1E800] =	vst v63  }
0xe7: {  	s17 =	simm.s32 $0x1  }
0xe8: {  	_ =	swait.ge [sflag:s17], $0x100  }
0xe9: {  	[sflag:s17] =	ssyncset.done $0x0  }
0xea: {  	[sflag:s17] =	ssyncadd.s32 $0xFFFFFF00  }
0xeb: {  	[tilespmem:s7], [sflag:$0x6] =	stream.indirect.gather [hbm4b:s0+s23], $0x80, s4, s23, $0xb8;
	[tilespmem:$0x1E800] =	vst v63  }
0xec: {  	_ =	swait.ge [sflag:s28], $0x100  }
0xed: {  	[sflag:s28] =	ssyncset.done $0x0  }
0xee: {  	[sflag:s28] =	ssyncadd.s32 $0xFFFFFF00  }
0xef: {  	[tilespmem:s22], [sflag:$0x7] =	stream.indirect.gather [hbm4b:s0+s23], $0x80, s13, s23, $0xb8;
	[tilespmem:$0x1E800] =	vst v63  }
0xf0: {  	_ =	swait.ge [sflag:s30], $0x100  }
0xf1: {  	[sflag:s30] =	ssyncset.done $0x0  }
0xf2: {  	[sflag:s30] =	ssyncadd.s32 $0xFFFFFF00  }
0xf3: {  	[tilespmem:s25], [sflag:$0x8] =	stream.indirect.gather [hbm4b:s0+s23], $0x80, s15, s23, $0xb8;
	[tilespmem:$0x1E800] =	vst v63  }
0xf4: {  	_ =	swait.ge [sflag:s2], $0x100  }
0xf5: {  	p1 =	sne.s32 s9, $0x12C0;
	[sflag:s2] =	ssyncset.done $0x0  }
.Ltmp0:
0xf6: {  	[sflag:s2] =	ssyncadd.s32 $0xFFFFFF00;
	(pc) =	sbr.rel @p1 .LBB2_2-.Ltmp0, $4  }
0xf7: {  	[tilespmem:s6], [sflag:$0x9] =	stream.indirect.gather [hbm4b:s0+s23], $0x80, s16, s23, $0xb8;
	[tilespmem:$0x1E800] =	vst v63  }
0xf8: {  	s9 =	sadd.s32 $0xA0, s9;
	s14 =	simm.s32 $0x400;
	_ =	swait.ge [sflag:s11], $0x100  }
0xf9: {  	s12 =	simm.s32 $0x500;
	s7 =	simm.s32 $0x2500;
	[sflag:s11] =	ssyncset.done $0x0  }
0xfa: {  	s22 =	simm.s32 $0x4500;
	s25 =	simm.s32 $0x6500;
	[sflag:s11] =	ssyncadd.s32 $0xFFFFFF00  }
0xfb: {  	s2 =	simm.s32 $0x8500;
	s6 =	simm.s32 $0x6  }
0xfc: {  	[tilespmem:s2], [sflag:$0xA] =	stream.indirect.gather [hbm4b:s0+s23], $0x80, s14, s23, $0xb8;
	[tilespmem:$0x1E800] =	vst v63  }
0xfd: {  	_ =	swait.ge [sflag:s6], $0x2000  }
0xfe: {  	[sflag:s6] =	ssyncset.done $0x0  }
0xff: {  	s16 =	simm.s32 $0x80;
	[sflag:s6] =	ssyncadd.s32 $0xFFFFE000  }
0x100: {  	[spmem:s1] =	stream.indirect.scatter.add.f32 [tilespmem:s12], [sflag:$0xB], $0x80, s16, s23, $0xb8;
	[tilespmem:$0x1E800] =	vst v63  }
0x101: {  	s30 =	simm.s32 $0x7  }
0x102: {  	[spmem:s3] =	stream.indirect.scatter.add.f32 [tilespmem:s10], [sflag:$0x10], $0x1, s16, s23, $0xb8;
	[tilespmem:$0x1E800] =	vst v63  }
0x103: {  	_ =	swait.ge [sflag:s30], $0x2000  }
0x104: {  	[sflag:s30] =	ssyncset.done $0x0  }
0x105: {  	s9 =	simm.s32 $0x180;
	[sflag:s30] =	ssyncadd.s32 $0xFFFFE000  }
0x106: {  	[spmem:s1] =	stream.indirect.scatter.add.f32 [tilespmem:s7], [sflag:$0xC], $0x80, s9, s23, $0xb8;
	[tilespmem:$0x1E800] =	vst v63  }
0x107: {  	s11 =	simm.s32 $0x8  }
0x108: {  	[spmem:s3] =	stream.indirect.scatter.add.f32 [tilespmem:s10], [sflag:$0x11], $0x1, s9, s23, $0xb8;
	[tilespmem:$0x1E800] =	vst v63  }
0x109: {  	_ =	swait.ge [sflag:s11], $0x2000  }
0x10a: {  	[sflag:s11] =	ssyncset.done $0x0  }
0x10b: {  	s12 =	simm.s32 $0x280;
	[sflag:s11] =	ssyncadd.s32 $0xFFFFE000  }
0x10c: {  	[spmem:s1] =	stream.indirect.scatter.add.f32 [tilespmem:s22], [sflag:$0xD], $0x80, s12, s23, $0xb8;
	[tilespmem:$0x1E800] =	vst v63  }
0x10d: {  	s13 =	simm.s32 $0x9  }
0x10e: {  	[spmem:s3] =	stream.indirect.scatter.add.f32 [tilespmem:s10], [sflag:$0x12], $0x1, s12, s23, $0xb8;
	[tilespmem:$0x1E800] =	vst v63  }
0x10f: {  	_ =	swait.ge [sflag:s13], $0x2000  }
0x110: {  	[sflag:s13] =	ssyncset.done $0x0  }
0x111: {  	s14 =	simm.s32 $0x380;
	[sflag:s13] =	ssyncadd.s32 $0xFFFFE000  }
0x112: {  	[spmem:s1] =	stream.indirect.scatter.add.f32 [tilespmem:s25], [sflag:$0xE], $0x80, s14, s23, $0xb8;
	[tilespmem:$0x1E800] =	vst v63  }
0x113: {  	s15 =	simm.s32 $0xA  }
0x114: {  	[spmem:s3] =	stream.indirect.scatter.add.f32 [tilespmem:s10], [sflag:$0x13], $0x1, s14, s23, $0xb8;
	[tilespmem:$0x1E800] =	vst v63  }
0x115: {  	_ =	swait.ge [sflag:s15], $0x2000  }
0x116: {  	[sflag:s15] =	ssyncset.done $0x0  }
0x117: {  	s16 =	simm.s32 $0x480;
	[sflag:s15] =	ssyncadd.s32 $0xFFFFE000  }
0x118: {  	[spmem:s1] =	stream.indirect.scatter.add.f32 [tilespmem:s2], [sflag:$0xF], $0x80, s16, s23, $0xb8;
	[tilespmem:$0x1E800] =	vst v63  }
0x119: {  	_ = 	snop  }
0x11a: {  	[spmem:s3] =	stream.indirect.scatter.add.f32 [tilespmem:s10], [sflag:$0x14], $0x1, s16, s23, $0xb8;
	[tilespmem:$0x1E800] =	vst v63  }
0x11b: {  	_ =	swait.ge [sflag:s8], $0x2000  }
0x11c: {  	[sflag:s8] =	ssyncset.done $0x0  }
0x11d: {  	[sflag:s8] =	ssyncadd.s32 $0xFFFFE000  }
0x11e: {  	_ =	swait.ge [sflag:s18], $0x40  }
0x11f: {  	[sflag:s18] =	ssyncset.done $0x0  }
0x120: {  	[sflag:s18] =	ssyncadd.s32 $0xFFFFFFC0  }
0x121: {  	_ =	swait.ge [sflag:s19], $0x2000  }
0x122: {  	[sflag:s19] =	ssyncset.done $0x0  }
0x123: {  	[sflag:s19] =	ssyncadd.s32 $0xFFFFE000  }
0x124: {  	_ =	swait.ge [sflag:s20], $0x40  }
0x125: {  	[sflag:s20] =	ssyncset.done $0x0  }
0x126: {  	[sflag:s20] =	ssyncadd.s32 $0xFFFFFFC0  }
0x127: {  	_ =	swait.ge [sflag:s21], $0x2000  }
0x128: {  	[sflag:s21] =	ssyncset.done $0x0  }
0x129: {  	[sflag:s21] =	ssyncadd.s32 $0xFFFFE000  }
0x12a: {  	_ =	swait.ge [sflag:s24], $0x40  }
0x12b: {  	[sflag:s24] =	ssyncset.done $0x0  }
0x12c: {  	[sflag:s24] =	ssyncadd.s32 $0xFFFFFFC0  }
0x12d: {  	_ =	swait.ge [sflag:s26], $0x2000  }
0x12e: {  	[sflag:s26] =	ssyncset.done $0x0  }
0x12f: {  	[sflag:s26] =	ssyncadd.s32 $0xFFFFE000  }
0x130: {  	_ =	swait.ge [sflag:s29], $0x40  }
0x131: {  	[sflag:s29] =	ssyncset.done $0x0  }
0x132: {  	[sflag:s29] =	ssyncadd.s32 $0xFFFFFFC0  }
0x133: {  	_ =	swait.ge [sflag:s31], $0x2000  }
0x134: {  	[sflag:s31] =	ssyncset.done $0x0  }
0x135: {  	[sflag:s31] =	ssyncadd.s32 $0xFFFFE000  }
0x136: {  	_ =	swait.ge [sflag:s5], $0x40  }
0x137: {  	[sflag:s5] =	ssyncset.done $0x0  }
0x138: {  	[sflag:s5] =	ssyncadd.s32 $0xFFFFFFC0  }
0x139: {  	[bflag:$0x0] =	sbarrier.arrive $0xFFFF  }
0x13a: {  	s9 =	rddreg [dreg:$0xd]  }
0x13b: {  	s22 =	rddreg [dreg:$0x12]  }
0x13c: {  	s7 =	simm.s32 $0x15;
	s11 =	rddreg [dreg:$0x15]  }
0x13d: {  	[hbm:s22], [sflag:s9] =	dma.local [spmem:s11], $0x2800  }
0x13e: {  	s6 =	simm.s32 @!p0 $0x1;
	_ =	swait.ge [sflag:s7], $0x2800  }
0x13f: {  	s13 =	simm.s32 @!p0 $0x20;
	[sflag:s7] =	ssyncset.done $0x0;
	s12 =	rddreg [dreg:$0x13]  }
0x140: {  	s14 =	simm.s32 @!p0 $0x10;
	s2 =	rddreg [dreg:$0x17];
	[sflag:s7] =	ssyncadd.s32 $0xFFFFD800  }
0x141: {  	[hbm:s12@s13], [sflag:s9] =	dma.strided @!p0 [spmem:s2@s14], $0x500, s6, $0x10   }
0x142: {  	s14 =	smov.u32 s9;
	s9 =	simm.s32 @!p0 $0x15  }
0x143: {  	_ =	swait.ge @!p0 [sflag:s9], $0x500  }
0x144: {  	s25 =	rddreg [dreg:$0x16]  }
0x145: {  	s30 =	rddreg [dreg:$0x14];
	s6 =	sadd.s32 $0x1, s25  }
0x146: {  	p1 =	sne.s32 s6, s30  }
.Ltmp1:
0x147: {  	_ = 	snop;
	(pc) =	sbr.rel @p1 .LBB2_1-.Ltmp1, $4  }
0x148: {  	_ = 	snop  }
0x149: {  	s28 =	simm.s32 $0x3  }
0x14a: {  	s12 =	smov.u32 s11;
	s2 =	simm.s32 $0x4;
	[sflag:s9] =	ssyncset.done @!p0 $0x0  }
0x14b: {  	s11 =	simm.s32 $0x5;
	[sflag:s9] =	ssyncadd.s32 @!p0 $0xFFFFFB00;
	s25 =	simm.s32 $0x2  }
0x14c: {  	_ =	sfence.sel $0x180000  }
0x14d: {  	[bflag:$0x0] =	sbarrier.arrive $0xFFFF  }
0x14e: {  	_ =	strace $0x90000047  }
0x14f: {  	[bflag:$0x2] =	sbarrier.arrive $0xFFFF  }
0x150: {  	s0 =	rddreg [dreg:$0x4]  }
0x151: {  	s0 =	sadd.s32 @!p0 $0x100000, s0  }
0x152: {  	[sflag:s0] =	ssyncadd.tile.s32 @!p0 $0x1;
	_ =	shalt  }
.Lfunc_end2:
_tile_overlayer_lowered:
.L_overlay_start_2:
0x153: {  	(tag) =	ssettag $0x2  }
0x154: {  	s0 =	rddreg [dreg:$0x0];
	s2 =	stileid.u32  }
0x155: {  	s1 =	rddreg [dreg:$0x1];
	p0 =	sne.s32 s2, $0x0  }
0x156: {  	s3 =	rddreg [dreg:$0x2];
	[bflag:$0x3] =	sbarrier.arrive $0xFFFF;
	s2 =	simm.s32 @!p0 $0x1C15  }
0x157: {  	[timem:s3], [sflag:s2] =	dma.local @!p0 [hbm:s0], s1  }
0x158: {  	s0 =	simm.s32 @!p0 $0x15  }
0x159: {  	_ =	swait.ge @!p0 [sflag:s0], s1  }
0x15a: {  	s1 =	ssub.s32 @!p0 $0x0, s1;
	[sflag:s0] =	ssyncset.done @!p0 $0x0  }
0x15b: {  	[sflag:s0] =	ssyncadd.s32 @!p0 s1  }
0x15c: {  	[bflag:$0x3] =	sbarrier.arrive $0xFFFF  }
0x15d: {  	_ =	shalt  }

</sc_bundles>
